<compile_context>
chip_gen: v7x
topology: tpu7x:2x2x1
jax: 0.10.2.dev20260603
libtpu: 0.0.44.dev20260713+nightly
codegen_flags: <defaults>
</compile_context>

<pallas_src>
import functools

import jax
import jax.numpy as jnp
from jax import lax
from jax.experimental import pallas as pl
from jax.experimental.pallas import tpu as pltpu
from jax.experimental.pallas import tpu_sc as plsc

_NUM_CORES = 2
_NUM_SUBCORES = 16
_NUM_WORKERS = _NUM_CORES * _NUM_SUBCORES
_BUF_ROWS = 56
_NBUF = 2


@functools.lru_cache(maxsize=None)
def _broadcast_kernel(batch, seq, hidden):
    rows_per_worker = seq // _NUM_WORKERS
    chunk_rows = []
    r = rows_per_worker
    while r > 0:
        c = min(r, _BUF_ROWS)
        chunk_rows.append(c)
        r -= c
    chunk_offs = [sum(chunk_rows[:i]) for i in range(len(chunk_rows))]
    num_chunks = len(chunk_rows)
    mesh = plsc.VectorSubcoreMesh(core_axis_name="c", subcore_axis_name="s")

    @functools.partial(
        pl.kernel,
        mesh=mesh,
        out_type=jax.ShapeDtypeStruct((batch, seq, hidden), jnp.float32),
        scratch_types=(
            [pltpu.VMEM((_BUF_ROWS, hidden), jnp.float32)] * _NBUF
            + [pltpu.SemaphoreType.DMA] * (1 + _NBUF)
        ),
    )
    def k(table_hbm, out_hbm, *rest):
        bufs = rest[:_NBUF]
        ld = rest[_NBUF]
        sts = rest[_NBUF + 1:]
        wid = lax.axis_index("s") * _NUM_CORES + lax.axis_index("c")
        base = wid * rows_per_worker
        loads = [None] * num_chunks
        stores = [None] * num_chunks

        def start_load(i):
            n = chunk_rows[i]
            return pltpu.async_copy(
                table_hbm.at[pl.ds(base + chunk_offs[i], n), :],
                bufs[i % _NBUF].at[pl.ds(0, n), :], ld)

        for i in range(min(_NBUF, num_chunks)):
            loads[i] = start_load(i)
        drained = 0
        for i in range(num_chunks):
            n = chunk_rows[i]
            loads[i].wait()
            row0 = base + chunk_offs[i]
            stores[i] = [
                pltpu.async_copy(
                    bufs[i % _NBUF].at[pl.ds(0, n), :],
                    out_hbm.at[(wid + b) % batch, pl.ds(row0, n), :],
                    sts[i % _NBUF])
                for b in range(batch)
            ]
            nxt = i - 1 + _NBUF
            if i >= 1 and nxt < num_chunks:
                for h in stores[i - 1]:
                    h.wait()
                drained = i
                loads[nxt] = start_load(nxt)
        for i in range(drained, num_chunks):
            for h in stores[i]:
                h.wait()

    return k


def kernel(x, pos_table):
    batch = x.shape[0]
    seq, hidden = pos_table.shape
    return _broadcast_kernel(batch, seq, hidden)(pos_table)

# --- scband reference (transcript-rebuilt; emitter-appended) ---
"""Pipeline reference for scband-position-embedding-14482629722466 (READ-ONLY COPY).

The authoritative reference and input builder live on the scoring server;
editing this copy changes nothing except your own understanding.
"""

import jax, jax.numpy as jnp
import numpy as np

BATCH = 4
SEQ_LEN = 8192
HIDDEN = 1024


def setup_inputs(seed: int = 0) -> dict:
    key = jax.random.key(seed)
    k1, k2 = jax.random.split(key)
    # x: token ids, only shapes are used by the module
    x = jax.random.randint(k1, (BATCH, SEQ_LEN), 0, 32000, dtype=jnp.int32)
    # learned position embedding table (nn.Embedding(seq_len, hidden_size))
    pos_table = jax.random.normal(k2, (SEQ_LEN, HIDDEN), dtype=jnp.float32)
    return {"x": x, "pos_table": pos_table}


def reference(x, pos_table):
    batch_size = x.shape[0]
    seq_len = x.shape[1]
    pos = jnp.arange(seq_len, dtype=jnp.int32)
    pos = jnp.broadcast_to(pos[None, :], (batch_size, seq_len))
    # embedding lookup: gather rows of pos_table
    embedding = jnp.take(pos_table, pos, axis=0)
    return embedding

if __name__ == "__main__":
    import jax
    _d = setup_inputs()
    print(jax.jit(kernel)(*tuple(_d.values())))

</pallas_src>

<mosaic_0001>
#map = affine_map<(d0, d1) -> (0, 0)>
#map1 = affine_map<(d0, d1) -> (0, 0, 0)>
module attributes {stable_mosaic.version = 14 : i64} {
  func.func @k(%arg0: i32, %arg1: i32, %arg2: memref<8192x1024xf32, #tpu.memory_space<hbm>>, %arg3: memref<4x8192x1024xf32, #tpu.memory_space<hbm>>, %arg4: memref<56x1024xf32, #tpu.memory_space<vmem>>, %arg5: memref<56x1024xf32, #tpu.memory_space<vmem>>, %arg6: memref<!tpu.dma_semaphore, #tpu.memory_space<semaphore_mem>>, %arg7: memref<!tpu.dma_semaphore, #tpu.memory_space<semaphore_mem>>, %arg8: memref<!tpu.dma_semaphore, #tpu.memory_space<semaphore_mem>>) attributes {dimension_semantics = [#tpu.dimension_semantics<core_parallel>, #tpu.dimension_semantics<subcore_parallel>], iteration_bounds = array<i64: 2, 16>, scalar_prefetch = 0 : i64, scratch_operands = 5 : i64, tpu.core_type = #tpu.core_type<sc_vector_subcore>, window_params = [{transform_indices = #map}, {transform_indices = #map1}]} {
    %mul3A = arith.constant 2 : i32
    %mul3A_0 = arith.muli %arg1, %mul3A : i32
    %add3A = arith.addi %mul3A_0, %arg0 : i32
    %mul3A_1 = arith.constant 256 : i32
    %mul3A_2 = arith.muli %add3A, %mul3A_1 : i32
    %add3A_3 = arith.constant 0 : i32
    %add3A_4 = arith.addi %mul3A_2, %add3A_3 : i32
    %dma_start3A = arith.constant 0 : i32
    %dma_start3A_5 = arith.constant 0 : i32
    %dma_start3A_6 = tpu.memref_slice %arg4[%dma_start3A, %dma_start3A_5] : memref<56x1024xf32, #tpu.memory_space<vmem>> -> memref<56x1024xf32, #tpu.memory_space<vmem>>
    %dma_start3A_7 = arith.constant 0 : i32
    %dma_start3A_8 = tpu.memref_slice %arg2[%add3A_4, %dma_start3A_7] : memref<8192x1024xf32, #tpu.memory_space<hbm>> -> memref<56x1024xf32, #tpu.memory_space<hbm>>
    %dma_start3A_9 = arith.constant 0 : i32
    %dma_start3A_10 = arith.constant 0 : i32
    %dma_start3A_11 = tpu.memref_slice %arg4[%dma_start3A_9, %dma_start3A_10] : memref<56x1024xf32, #tpu.memory_space<vmem>> -> memref<56x1024xf32, #tpu.memory_space<vmem>>
    %dma_start3A_12 = arith.constant 0 : i32
    %dma_start3A_13 = tpu.memref_slice %arg2[%add3A_4, %dma_start3A_12] : memref<8192x1024xf32, #tpu.memory_space<hbm>> -> memref<56x1024xf32, #tpu.memory_space<hbm>>
    tpu.enqueue_dma source(%dma_start3A_13 : memref<56x1024xf32, #tpu.memory_space<hbm>>) target(%dma_start3A_11 : memref<56x1024xf32, #tpu.memory_space<vmem>>) target_semaphore(%arg6 : memref<!tpu.dma_semaphore, #tpu.memory_space<semaphore_mem>>)
    %add3A_14 = arith.constant 56 : i32
    %add3A_15 = arith.addi %mul3A_2, %add3A_14 : i32
    %dma_start3A_16 = arith.constant 0 : i32
    %dma_start3A_17 = arith.constant 0 : i32
    %dma_start3A_18 = tpu.memref_slice %arg5[%dma_start3A_16, %dma_start3A_17] : memref<56x1024xf32, #tpu.memory_space<vmem>> -> memref<56x1024xf32, #tpu.memory_space<vmem>>
    %dma_start3A_19 = arith.constant 0 : i32
    %dma_start3A_20 = tpu.memref_slice %arg2[%add3A_15, %dma_start3A_19] : memref<8192x1024xf32, #tpu.memory_space<hbm>> -> memref<56x1024xf32, #tpu.memory_space<hbm>>
    %dma_start3A_21 = arith.constant 0 : i32
    %dma_start3A_22 = arith.constant 0 : i32
    %dma_start3A_23 = tpu.memref_slice %arg5[%dma_start3A_21, %dma_start3A_22] : memref<56x1024xf32, #tpu.memory_space<vmem>> -> memref<56x1024xf32, #tpu.memory_space<vmem>>
    %dma_start3A_24 = arith.constant 0 : i32
    %dma_start3A_25 = tpu.memref_slice %arg2[%add3A_15, %dma_start3A_24] : memref<8192x1024xf32, #tpu.memory_space<hbm>> -> memref<56x1024xf32, #tpu.memory_space<hbm>>
    tpu.enqueue_dma source(%dma_start3A_25 : memref<56x1024xf32, #tpu.memory_space<hbm>>) target(%dma_start3A_23 : memref<56x1024xf32, #tpu.memory_space<vmem>>) target_semaphore(%arg6 : memref<!tpu.dma_semaphore, #tpu.memory_space<semaphore_mem>>)
    %dma_wait3A = arith.constant 0 : i32
    %dma_wait3A_26 = arith.constant 0 : i32
    %dma_wait3A_27 = tpu.memref_slice %arg4[%dma_wait3A, %dma_wait3A_26] : memref<56x1024xf32, #tpu.memory_space<vmem>> -> memref<56x1024xf32, #tpu.memory_space<vmem>>
    %dma_wait3A_28 = arith.constant 0 : i32
    %dma_wait3A_29 = tpu.memref_slice %arg2[%add3A_4, %dma_wait3A_28] : memref<8192x1024xf32, #tpu.memory_space<hbm>> -> memref<56x1024xf32, #tpu.memory_space<hbm>>
    %dma_wait3A_30 = arith.constant 0 : i32
    %dma_wait3A_31 = arith.constant 0 : i32
    %dma_wait3A_32 = tpu.memref_slice %arg4[%dma_wait3A_30, %dma_wait3A_31] : memref<56x1024xf32, #tpu.memory_space<vmem>> -> memref<56x1024xf32, #tpu.memory_space<vmem>>
    %dma_wait3A_33 = arith.constant 0 : i32
    %dma_wait3A_34 = tpu.memref_slice %arg2[%add3A_4, %dma_wait3A_33] : memref<8192x1024xf32, #tpu.memory_space<hbm>> -> memref<56x1024xf32, #tpu.memory_space<hbm>>
    tpu.wait_dma2 semaphore(%arg6 : memref<!tpu.dma_semaphore, #tpu.memory_space<semaphore_mem>>) src(%dma_wait3A_34 : memref<56x1024xf32, #tpu.memory_space<hbm>>) dst(%dma_wait3A_32 : memref<56x1024xf32, #tpu.memory_space<vmem>>)
    %add3A_35 = arith.constant 0 : i32
    %add3A_36 = arith.addi %mul3A_2, %add3A_35 : i32
    %add3A_37 = arith.constant 0 : i32
    %add3A_38 = arith.addi %add3A, %add3A_37 : i32
    %jit3A = arith.constant 4 : i32
    %eq3A = arith.constant 0 : i32
    %eq3A_39 = arith.cmpi eq, %jit3A, %eq3A : i32
    %jit3A_40 = arith.constant 1 : i32
    %select_n3A = arith.select %eq3A_39, %jit3A_40, %jit3A : i32
    %rem3A = arith.remsi %add3A_38, %select_n3A : i32
    %ne3A = arith.constant 0 : i32
    %ne3A_41 = arith.cmpi ne, %rem3A, %ne3A : i32
    %lt3A = arith.constant 0 : i32
    %lt3A_42 = arith.cmpi slt, %rem3A, %lt3A : i32
    %lt3A_43 = arith.constant 0 : i32
    %lt3A_44 = arith.cmpi slt, %select_n3A, %lt3A_43 : i32
    %ne3A_45 = arith.xori %lt3A_42, %lt3A_44 : i1
    %and3A = arith.andi %ne3A_45, %ne3A_41 : i1
    %add3A_46 = arith.addi %rem3A, %select_n3A : i32
    %select_n3A_47 = arith.select %and3A, %add3A_46, %rem3A : i32
    %dma_start3A_48 = arith.constant 0 : i32
    %dma_start3A_49 = arith.constant 0 : i32
    %dma_start3A_50 = tpu.memref_slice %arg4[%dma_start3A_48, %dma_start3A_49] : memref<56x1024xf32, #tpu.memory_space<vmem>> -> memref<56x1024xf32, #tpu.memory_space<vmem>>
    %dma_start3A_51 = arith.constant 0 : i32
    %dma_start3A_52 = tpu.memref_slice %arg3[%select_n3A_47, %add3A_36, %dma_start3A_51] : memref<4x8192x1024xf32, #tpu.memory_space<hbm>> -> memref<1x56x1024xf32, #tpu.memory_space<hbm>>
    %dma_start3A_53 = tpu.memref_squeeze %dma_start3A_52 : memref<1x56x1024xf32, #tpu.memory_space<hbm>> -> memref<56x1024xf32, #tpu.memory_space<hbm>>
    %dma_start3A_54 = arith.constant 0 : i32
    %dma_start3A_55 = tpu.memref_slice %arg3[%select_n3A_47, %add3A_36, %dma_start3A_54] : memref<4x8192x1024xf32, #tpu.memory_space<hbm>> -> memref<1x56x1024xf32, #tpu.memory_space<hbm>>
    %dma_start3A_56 = tpu.memref_squeeze %dma_start3A_55 : memref<1x56x1024xf32, #tpu.memory_space<hbm>> -> memref<56x1024xf32, #tpu.memory_space<hbm>>
    %dma_start3A_57 = arith.constant 0 : i32
    %dma_start3A_58 = arith.constant 0 : i32
    %dma_start3A_59 = tpu.memref_slice %arg4[%dma_start3A_57, %dma_start3A_58] : memref<56x1024xf32, #tpu.memory_space<vmem>> -> memref<56x1024xf32, #tpu.memory_space<vmem>>
    tpu.enqueue_dma source(%dma_start3A_59 : memref<56x1024xf32, #tpu.memory_space<vmem>>) target(%dma_start3A_56 : memref<56x1024xf32, #tpu.memory_space<hbm>>) target_semaphore(%arg7 : memref<!tpu.dma_semaphore, #tpu.memory_space<semaphore_mem>>)
    %add3A_60 = arith.constant 1 : i32
    %add3A_61 = arith.addi %add3A, %add3A_60 : i32
    %jit3A_62 = arith.constant 4 : i32
    %eq3A_63 = arith.constant 0 : i32
    %eq3A_64 = arith.cmpi eq, %jit3A_62, %eq3A_63 : i32
    %jit3A_65 = arith.constant 1 : i32
    %select_n3A_66 = arith.select %eq3A_64, %jit3A_65, %jit3A_62 : i32
    %rem3A_67 = arith.remsi %add3A_61, %select_n3A_66 : i32
    %ne3A_68 = arith.constant 0 : i32
    %ne3A_69 = arith.cmpi ne, %rem3A_67, %ne3A_68 : i32
    %lt3A_70 = arith.constant 0 : i32
    %lt3A_71 = arith.cmpi slt, %rem3A_67, %lt3A_70 : i32
    %lt3A_72 = arith.constant 0 : i32
    %lt3A_73 = arith.cmpi slt, %select_n3A_66, %lt3A_72 : i32
    %ne3A_74 = arith.xori %lt3A_71, %lt3A_73 : i1
    %and3A_75 = arith.andi %ne3A_74, %ne3A_69 : i1
    %add3A_76 = arith.addi %rem3A_67, %select_n3A_66 : i32
    %select_n3A_77 = arith.select %and3A_75, %add3A_76, %rem3A_67 : i32
    %dma_start3A_78 = arith.constant 0 : i32
    %dma_start3A_79 = arith.constant 0 : i32
    %dma_start3A_80 = tpu.memref_slice %arg4[%dma_start3A_78, %dma_start3A_79] : memref<56x1024xf32, #tpu.memory_space<vmem>> -> memref<56x1024xf32, #tpu.memory_space<vmem>>
    %dma_start3A_81 = arith.constant 0 : i32
    %dma_start3A_82 = tpu.memref_slice %arg3[%select_n3A_77, %add3A_36, %dma_start3A_81] : memref<4x8192x1024xf32, #tpu.memory_space<hbm>> -> memref<1x56x1024xf32, #tpu.memory_space<hbm>>
    %dma_start3A_83 = tpu.memref_squeeze %dma_start3A_82 : memref<1x56x1024xf32, #tpu.memory_space<hbm>> -> memref<56x1024xf32, #tpu.memory_space<hbm>>
    %dma_start3A_84 = arith.constant 0 : i32
    %dma_start3A_85 = tpu.memref_slice %arg3[%select_n3A_77, %add3A_36, %dma_start3A_84] : memref<4x8192x1024xf32, #tpu.memory_space<hbm>> -> memref<1x56x1024xf32, #tpu.memory_space<hbm>>
    %dma_start3A_86 = tpu.memref_squeeze %dma_start3A_85 : memref<1x56x1024xf32, #tpu.memory_space<hbm>> -> memref<56x1024xf32, #tpu.memory_space<hbm>>
    %dma_start3A_87 = arith.constant 0 : i32
    %dma_start3A_88 = arith.constant 0 : i32
    %dma_start3A_89 = tpu.memref_slice %arg4[%dma_start3A_87, %dma_start3A_88] : memref<56x1024xf32, #tpu.memory_space<vmem>> -> memref<56x1024xf32, #tpu.memory_space<vmem>>
    tpu.enqueue_dma source(%dma_start3A_89 : memref<56x1024xf32, #tpu.memory_space<vmem>>) target(%dma_start3A_86 : memref<56x1024xf32, #tpu.memory_space<hbm>>) target_semaphore(%arg7 : memref<!tpu.dma_semaphore, #tpu.memory_space<semaphore_mem>>)
    %add3A_90 = arith.constant 2 : i32
    %add3A_91 = arith.addi %add3A, %add3A_90 : i32
    %jit3A_92 = arith.constant 4 : i32
    %eq3A_93 = arith.constant 0 : i32
    %eq3A_94 = arith.cmpi eq, %jit3A_92, %eq3A_93 : i32
    %jit3A_95 = arith.constant 1 : i32
    %select_n3A_96 = arith.select %eq3A_94, %jit3A_95, %jit3A_92 : i32
    %rem3A_97 = arith.remsi %add3A_91, %select_n3A_96 : i32
    %ne3A_98 = arith.constant 0 : i32
    %ne3A_99 = arith.cmpi ne, %rem3A_97, %ne3A_98 : i32
    %lt3A_100 = arith.constant 0 : i32
    %lt3A_101 = arith.cmpi slt, %rem3A_97, %lt3A_100 : i32
    %lt3A_102 = arith.constant 0 : i32
    %lt3A_103 = arith.cmpi slt, %select_n3A_96, %lt3A_102 : i32
    %ne3A_104 = arith.xori %lt3A_101, %lt3A_103 : i1
    %and3A_105 = arith.andi %ne3A_104, %ne3A_99 : i1
    %add3A_106 = arith.addi %rem3A_97, %select_n3A_96 : i32
    %select_n3A_107 = arith.select %and3A_105, %add3A_106, %rem3A_97 : i32
    %dma_start3A_108 = arith.constant 0 : i32
    %dma_start3A_109 = arith.constant 0 : i32
    %dma_start3A_110 = tpu.memref_slice %arg4[%dma_start3A_108, %dma_start3A_109] : memref<56x1024xf32, #tpu.memory_space<vmem>> -> memref<56x1024xf32, #tpu.memory_space<vmem>>
    %dma_start3A_111 = arith.constant 0 : i32
    %dma_start3A_112 = tpu.memref_slice %arg3[%select_n3A_107, %add3A_36, %dma_start3A_111] : memref<4x8192x1024xf32, #tpu.memory_space<hbm>> -> memref<1x56x1024xf32, #tpu.memory_space<hbm>>
    %dma_start3A_113 = tpu.memref_squeeze %dma_start3A_112 : memref<1x56x1024xf32, #tpu.memory_space<hbm>> -> memref<56x1024xf32, #tpu.memory_space<hbm>>
    %dma_start3A_114 = arith.constant 0 : i32
    %dma_start3A_115 = tpu.memref_slice %arg3[%select_n3A_107, %add3A_36, %dma_start3A_114] : memref<4x8192x1024xf32, #tpu.memory_space<hbm>> -> memref<1x56x1024xf32, #tpu.memory_space<hbm>>
    %dma_start3A_116 = tpu.memref_squeeze %dma_start3A_115 : memref<1x56x1024xf32, #tpu.memory_space<hbm>> -> memref<56x1024xf32, #tpu.memory_space<hbm>>
    %dma_start3A_117 = arith.constant 0 : i32
    %dma_start3A_118 = arith.constant 0 : i32
    %dma_start3A_119 = tpu.memref_slice %arg4[%dma_start3A_117, %dma_start3A_118] : memref<56x1024xf32, #tpu.memory_space<vmem>> -> memref<56x1024xf32, #tpu.memory_space<vmem>>
    tpu.enqueue_dma source(%dma_start3A_119 : memref<56x1024xf32, #tpu.memory_space<vmem>>) target(%dma_start3A_116 : memref<56x1024xf32, #tpu.memory_space<hbm>>) target_semaphore(%arg7 : memref<!tpu.dma_semaphore, #tpu.memory_space<semaphore_mem>>)
    %add3A_120 = arith.constant 3 : i32
    %add3A_121 = arith.addi %add3A, %add3A_120 : i32
    %jit3A_122 = arith.constant 4 : i32
    %eq3A_123 = arith.constant 0 : i32
    %eq3A_124 = arith.cmpi eq, %jit3A_122, %eq3A_123 : i32
    %jit3A_125 = arith.constant 1 : i32
    %select_n3A_126 = arith.select %eq3A_124, %jit3A_125, %jit3A_122 : i32
    %rem3A_127 = arith.remsi %add3A_121, %select_n3A_126 : i32
    %ne3A_128 = arith.constant 0 : i32
    %ne3A_129 = arith.cmpi ne, %rem3A_127, %ne3A_128 : i32
    %lt3A_130 = arith.constant 0 : i32
    %lt3A_131 = arith.cmpi slt, %rem3A_127, %lt3A_130 : i32
    %lt3A_132 = arith.constant 0 : i32
    %lt3A_133 = arith.cmpi slt, %select_n3A_126, %lt3A_132 : i32
    %ne3A_134 = arith.xori %lt3A_131, %lt3A_133 : i1
    %and3A_135 = arith.andi %ne3A_134, %ne3A_129 : i1
    %add3A_136 = arith.addi %rem3A_127, %select_n3A_126 : i32
    %select_n3A_137 = arith.select %and3A_135, %add3A_136, %rem3A_127 : i32
    %dma_start3A_138 = arith.constant 0 : i32
    %dma_start3A_139 = arith.constant 0 : i32
    %dma_start3A_140 = tpu.memref_slice %arg4[%dma_start3A_138, %dma_start3A_139] : memref<56x1024xf32, #tpu.memory_space<vmem>> -> memref<56x1024xf32, #tpu.memory_space<vmem>>
    %dma_start3A_141 = arith.constant 0 : i32
    %dma_start3A_142 = tpu.memref_slice %arg3[%select_n3A_137, %add3A_36, %dma_start3A_141] : memref<4x8192x1024xf32, #tpu.memory_space<hbm>> -> memref<1x56x1024xf32, #tpu.memory_space<hbm>>
    %dma_start3A_143 = tpu.memref_squeeze %dma_start3A_142 : memref<1x56x1024xf32, #tpu.memory_space<hbm>> -> memref<56x1024xf32, #tpu.memory_space<hbm>>
    %dma_start3A_144 = arith.constant 0 : i32
    %dma_start3A_145 = tpu.memref_slice %arg3[%select_n3A_137, %add3A_36, %dma_start3A_144] : memref<4x8192x1024xf32, #tpu.memory_space<hbm>> -> memref<1x56x1024xf32, #tpu.memory_space<hbm>>
    %dma_start3A_146 = tpu.memref_squeeze %dma_start3A_145 : memref<1x56x1024xf32, #tpu.memory_space<hbm>> -> memref<56x1024xf32, #tpu.memory_space<hbm>>
    %dma_start3A_147 = arith.constant 0 : i32
    %dma_start3A_148 = arith.constant 0 : i32
    %dma_start3A_149 = tpu.memref_slice %arg4[%dma_start3A_147, %dma_start3A_148] : memref<56x1024xf32, #tpu.memory_space<vmem>> -> memref<56x1024xf32, #tpu.memory_space<vmem>>
    tpu.enqueue_dma source(%dma_start3A_149 : memref<56x1024xf32, #tpu.memory_space<vmem>>) target(%dma_start3A_146 : memref<56x1024xf32, #tpu.memory_space<hbm>>) target_semaphore(%arg7 : memref<!tpu.dma_semaphore, #tpu.memory_space<semaphore_mem>>)
    %dma_wait3A_150 = arith.constant 0 : i32
    %dma_wait3A_151 = arith.constant 0 : i32
    %dma_wait3A_152 = tpu.memref_slice %arg5[%dma_wait3A_150, %dma_wait3A_151] : memref<56x1024xf32, #tpu.memory_space<vmem>> -> memref<56x1024xf32, #tpu.memory_space<vmem>>
    %dma_wait3A_153 = arith.constant 0 : i32
    %dma_wait3A_154 = tpu.memref_slice %arg2[%add3A_15, %dma_wait3A_153] : memref<8192x1024xf32, #tpu.memory_space<hbm>> -> memref<56x1024xf32, #tpu.memory_space<hbm>>
    %dma_wait3A_155 = arith.constant 0 : i32
    %dma_wait3A_156 = arith.constant 0 : i32
    %dma_wait3A_157 = tpu.memref_slice %arg5[%dma_wait3A_155, %dma_wait3A_156] : memref<56x1024xf32, #tpu.memory_space<vmem>> -> memref<56x1024xf32, #tpu.memory_space<vmem>>
    %dma_wait3A_158 = arith.constant 0 : i32
    %dma_wait3A_159 = tpu.memref_slice %arg2[%add3A_15, %dma_wait3A_158] : memref<8192x1024xf32, #tpu.memory_space<hbm>> -> memref<56x1024xf32, #tpu.memory_space<hbm>>
    tpu.wait_dma2 semaphore(%arg6 : memref<!tpu.dma_semaphore, #tpu.memory_space<semaphore_mem>>) src(%dma_wait3A_159 : memref<56x1024xf32, #tpu.memory_space<hbm>>) dst(%dma_wait3A_157 : memref<56x1024xf32, #tpu.memory_space<vmem>>)
    %add3A_160 = arith.constant 56 : i32
    %add3A_161 = arith.addi %mul3A_2, %add3A_160 : i32
    %add3A_162 = arith.constant 0 : i32
    %add3A_163 = arith.addi %add3A, %add3A_162 : i32
    %jit3A_164 = arith.constant 4 : i32
    %eq3A_165 = arith.constant 0 : i32
    %eq3A_166 = arith.cmpi eq, %jit3A_164, %eq3A_165 : i32
    %jit3A_167 = arith.constant 1 : i32
    %select_n3A_168 = arith.select %eq3A_166, %jit3A_167, %jit3A_164 : i32
    %rem3A_169 = arith.remsi %add3A_163, %select_n3A_168 : i32
    %ne3A_170 = arith.constant 0 : i32
    %ne3A_171 = arith.cmpi ne, %rem3A_169, %ne3A_170 : i32
    %lt3A_172 = arith.constant 0 : i32
    %lt3A_173 = arith.cmpi slt, %rem3A_169, %lt3A_172 : i32
    %lt3A_174 = arith.constant 0 : i32
    %lt3A_175 = arith.cmpi slt, %select_n3A_168, %lt3A_174 : i32
    %ne3A_176 = arith.xori %lt3A_173, %lt3A_175 : i1
    %and3A_177 = arith.andi %ne3A_176, %ne3A_171 : i1
    %add3A_178 = arith.addi %rem3A_169, %select_n3A_168 : i32
    %select_n3A_179 = arith.select %and3A_177, %add3A_178, %rem3A_169 : i32
    %dma_start3A_180 = arith.constant 0 : i32
    %dma_start3A_181 = arith.constant 0 : i32
    %dma_start3A_182 = tpu.memref_slice %arg5[%dma_start3A_180, %dma_start3A_181] : memref<56x1024xf32, #tpu.memory_space<vmem>> -> memref<56x1024xf32, #tpu.memory_space<vmem>>
    %dma_start3A_183 = arith.constant 0 : i32
    %dma_start3A_184 = tpu.memref_slice %arg3[%select_n3A_179, %add3A_161, %dma_start3A_183] : memref<4x8192x1024xf32, #tpu.memory_space<hbm>> -> memref<1x56x1024xf32, #tpu.memory_space<hbm>>
    %dma_start3A_185 = tpu.memref_squeeze %dma_start3A_184 : memref<1x56x1024xf32, #tpu.memory_space<hbm>> -> memref<56x1024xf32, #tpu.memory_space<hbm>>
    %dma_start3A_186 = arith.constant 0 : i32
    %dma_start3A_187 = tpu.memref_slice %arg3[%select_n3A_179, %add3A_161, %dma_start3A_186] : memref<4x8192x1024xf32, #tpu.memory_space<hbm>> -> memref<1x56x1024xf32, #tpu.memory_space<hbm>>
    %dma_start3A_188 = tpu.memref_squeeze %dma_start3A_187 : memref<1x56x1024xf32, #tpu.memory_space<hbm>> -> memref<56x1024xf32, #tpu.memory_space<hbm>>
    %dma_start3A_189 = arith.constant 0 : i32
    %dma_start3A_190 = arith.constant 0 : i32
    %dma_start3A_191 = tpu.memref_slice %arg5[%dma_start3A_189, %dma_start3A_190] : memref<56x1024xf32, #tpu.memory_space<vmem>> -> memref<56x1024xf32, #tpu.memory_space<vmem>>
    tpu.enqueue_dma source(%dma_start3A_191 : memref<56x1024xf32, #tpu.memory_space<vmem>>) target(%dma_start3A_188 : memref<56x1024xf32, #tpu.memory_space<hbm>>) target_semaphore(%arg8 : memref<!tpu.dma_semaphore, #tpu.memory_space<semaphore_mem>>)
    %add3A_192 = arith.constant 1 : i32
    %add3A_193 = arith.addi %add3A, %add3A_192 : i32
    %jit3A_194 = arith.constant 4 : i32
    %eq3A_195 = arith.constant 0 : i32
    %eq3A_196 = arith.cmpi eq, %jit3A_194, %eq3A_195 : i32
    %jit3A_197 = arith.constant 1 : i32
    %select_n3A_198 = arith.select %eq3A_196, %jit3A_197, %jit3A_194 : i32
    %rem3A_199 = arith.remsi %add3A_193, %select_n3A_198 : i32
    %ne3A_200 = arith.constant 0 : i32
    %ne3A_201 = arith.cmpi ne, %rem3A_199, %ne3A_200 : i32
    %lt3A_202 = arith.constant 0 : i32
    %lt3A_203 = arith.cmpi slt, %rem3A_199, %lt3A_202 : i32
    %lt3A_204 = arith.constant 0 : i32
    %lt3A_205 = arith.cmpi slt, %select_n3A_198, %lt3A_204 : i32
    %ne3A_206 = arith.xori %lt3A_203, %lt3A_205 : i1
    %and3A_207 = arith.andi %ne3A_206, %ne3A_201 : i1
    %add3A_208 = arith.addi %rem3A_199, %select_n3A_198 : i32
    %select_n3A_209 = arith.select %and3A_207, %add3A_208, %rem3A_199 : i32
    %dma_start3A_210 = arith.constant 0 : i32
    %dma_start3A_211 = arith.constant 0 : i32
    %dma_start3A_212 = tpu.memref_slice %arg5[%dma_start3A_210, %dma_start3A_211] : memref<56x1024xf32, #tpu.memory_space<vmem>> -> memref<56x1024xf32, #tpu.memory_space<vmem>>
    %dma_start3A_213 = arith.constant 0 : i32
    %dma_start3A_214 = tpu.memref_slice %arg3[%select_n3A_209, %add3A_161, %dma_start3A_213] : memref<4x8192x1024xf32, #tpu.memory_space<hbm>> -> memref<1x56x1024xf32, #tpu.memory_space<hbm>>
    %dma_start3A_215 = tpu.memref_squeeze %dma_start3A_214 : memref<1x56x1024xf32, #tpu.memory_space<hbm>> -> memref<56x1024xf32, #tpu.memory_space<hbm>>
    %dma_start3A_216 = arith.constant 0 : i32
    %dma_start3A_217 = tpu.memref_slice %arg3[%select_n3A_209, %add3A_161, %dma_start3A_216] : memref<4x8192x1024xf32, #tpu.memory_space<hbm>> -> memref<1x56x1024xf32, #tpu.memory_space<hbm>>
    %dma_start3A_218 = tpu.memref_squeeze %dma_start3A_217 : memref<1x56x1024xf32, #tpu.memory_space<hbm>> -> memref<56x1024xf32, #tpu.memory_space<hbm>>
    %dma_start3A_219 = arith.constant 0 : i32
    %dma_start3A_220 = arith.constant 0 : i32
    %dma_start3A_221 = tpu.memref_slice %arg5[%dma_start3A_219, %dma_start3A_220] : memref<56x1024xf32, #tpu.memory_space<vmem>> -> memref<56x1024xf32, #tpu.memory_space<vmem>>
    tpu.enqueue_dma source(%dma_start3A_221 : memref<56x1024xf32, #tpu.memory_space<vmem>>) target(%dma_start3A_218 : memref<56x1024xf32, #tpu.memory_space<hbm>>) target_semaphore(%arg8 : memref<!tpu.dma_semaphore, #tpu.memory_space<semaphore_mem>>)
    %add3A_222 = arith.constant 2 : i32
    %add3A_223 = arith.addi %add3A, %add3A_222 : i32
    %jit3A_224 = arith.constant 4 : i32
    %eq3A_225 = arith.constant 0 : i32
    %eq3A_226 = arith.cmpi eq, %jit3A_224, %eq3A_225 : i32
    %jit3A_227 = arith.constant 1 : i32
    %select_n3A_228 = arith.select %eq3A_226, %jit3A_227, %jit3A_224 : i32
    %rem3A_229 = arith.remsi %add3A_223, %select_n3A_228 : i32
    %ne3A_230 = arith.constant 0 : i32
    %ne3A_231 = arith.cmpi ne, %rem3A_229, %ne3A_230 : i32
    %lt3A_232 = arith.constant 0 : i32
    %lt3A_233 = arith.cmpi slt, %rem3A_229, %lt3A_232 : i32
    %lt3A_234 = arith.constant 0 : i32
    %lt3A_235 = arith.cmpi slt, %select_n3A_228, %lt3A_234 : i32
    %ne3A_236 = arith.xori %lt3A_233, %lt3A_235 : i1
    %and3A_237 = arith.andi %ne3A_236, %ne3A_231 : i1
    %add3A_238 = arith.addi %rem3A_229, %select_n3A_228 : i32
    %select_n3A_239 = arith.select %and3A_237, %add3A_238, %rem3A_229 : i32
    %dma_start3A_240 = arith.constant 0 : i32
    %dma_start3A_241 = arith.constant 0 : i32
    %dma_start3A_242 = tpu.memref_slice %arg5[%dma_start3A_240, %dma_start3A_241] : memref<56x1024xf32, #tpu.memory_space<vmem>> -> memref<56x1024xf32, #tpu.memory_space<vmem>>
    %dma_start3A_243 = arith.constant 0 : i32
    %dma_start3A_244 = tpu.memref_slice %arg3[%select_n3A_239, %add3A_161, %dma_start3A_243] : memref<4x8192x1024xf32, #tpu.memory_space<hbm>> -> memref<1x56x1024xf32, #tpu.memory_space<hbm>>
    %dma_start3A_245 = tpu.memref_squeeze %dma_start3A_244 : memref<1x56x1024xf32, #tpu.memory_space<hbm>> -> memref<56x1024xf32, #tpu.memory_space<hbm>>
    %dma_start3A_246 = arith.constant 0 : i32
    %dma_start3A_247 = tpu.memref_slice %arg3[%select_n3A_239, %add3A_161, %dma_start3A_246] : memref<4x8192x1024xf32, #tpu.memory_space<hbm>> -> memref<1x56x1024xf32, #tpu.memory_space<hbm>>
    %dma_start3A_248 = tpu.memref_squeeze %dma_start3A_247 : memref<1x56x1024xf32, #tpu.memory_space<hbm>> -> memref<56x1024xf32, #tpu.memory_space<hbm>>
    %dma_start3A_249 = arith.constant 0 : i32
    %dma_start3A_250 = arith.constant 0 : i32
    %dma_start3A_251 = tpu.memref_slice %arg5[%dma_start3A_249, %dma_start3A_250] : memref<56x1024xf32, #tpu.memory_space<vmem>> -> memref<56x1024xf32, #tpu.memory_space<vmem>>
    tpu.enqueue_dma source(%dma_start3A_251 : memref<56x1024xf32, #tpu.memory_space<vmem>>) target(%dma_start3A_248 : memref<56x1024xf32, #tpu.memory_space<hbm>>) target_semaphore(%arg8 : memref<!tpu.dma_semaphore, #tpu.memory_space<semaphore_mem>>)
    %add3A_252 = arith.constant 3 : i32
    %add3A_253 = arith.addi %add3A, %add3A_252 : i32
    %jit3A_254 = arith.constant 4 : i32
    %eq3A_255 = arith.constant 0 : i32
    %eq3A_256 = arith.cmpi eq, %jit3A_254, %eq3A_255 : i32
    %jit3A_257 = arith.constant 1 : i32
    %select_n3A_258 = arith.select %eq3A_256, %jit3A_257, %jit3A_254 : i32
    %rem3A_259 = arith.remsi %add3A_253, %select_n3A_258 : i32
    %ne3A_260 = arith.constant 0 : i32
    %ne3A_261 = arith.cmpi ne, %rem3A_259, %ne3A_260 : i32
    %lt3A_262 = arith.constant 0 : i32
    %lt3A_263 = arith.cmpi slt, %rem3A_259, %lt3A_262 : i32
    %lt3A_264 = arith.constant 0 : i32
    %lt3A_265 = arith.cmpi slt, %select_n3A_258, %lt3A_264 : i32
    %ne3A_266 = arith.xori %lt3A_263, %lt3A_265 : i1
    %and3A_267 = arith.andi %ne3A_266, %ne3A_261 : i1
    %add3A_268 = arith.addi %rem3A_259, %select_n3A_258 : i32
    %select_n3A_269 = arith.select %and3A_267, %add3A_268, %rem3A_259 : i32
    %dma_start3A_270 = arith.constant 0 : i32
    %dma_start3A_271 = arith.constant 0 : i32
    %dma_start3A_272 = tpu.memref_slice %arg5[%dma_start3A_270, %dma_start3A_271] : memref<56x1024xf32, #tpu.memory_space<vmem>> -> memref<56x1024xf32, #tpu.memory_space<vmem>>
    %dma_start3A_273 = arith.constant 0 : i32
    %dma_start3A_274 = tpu.memref_slice %arg3[%select_n3A_269, %add3A_161, %dma_start3A_273] : memref<4x8192x1024xf32, #tpu.memory_space<hbm>> -> memref<1x56x1024xf32, #tpu.memory_space<hbm>>
    %dma_start3A_275 = tpu.memref_squeeze %dma_start3A_274 : memref<1x56x1024xf32, #tpu.memory_space<hbm>> -> memref<56x1024xf32, #tpu.memory_space<hbm>>
    %dma_start3A_276 = arith.constant 0 : i32
    %dma_start3A_277 = tpu.memref_slice %arg3[%select_n3A_269, %add3A_161, %dma_start3A_276] : memref<4x8192x1024xf32, #tpu.memory_space<hbm>> -> memref<1x56x1024xf32, #tpu.memory_space<hbm>>
    %dma_start3A_278 = tpu.memref_squeeze %dma_start3A_277 : memref<1x56x1024xf32, #tpu.memory_space<hbm>> -> memref<56x1024xf32, #tpu.memory_space<hbm>>
    %dma_start3A_279 = arith.constant 0 : i32
    %dma_start3A_280 = arith.constant 0 : i32
    %dma_start3A_281 = tpu.memref_slice %arg5[%dma_start3A_279, %dma_start3A_280] : memref<56x1024xf32, #tpu.memory_space<vmem>> -> memref<56x1024xf32, #tpu.memory_space<vmem>>
    tpu.enqueue_dma source(%dma_start3A_281 : memref<56x1024xf32, #tpu.memory_space<vmem>>) target(%dma_start3A_278 : memref<56x1024xf32, #tpu.memory_space<hbm>>) target_semaphore(%arg8 : memref<!tpu.dma_semaphore, #tpu.memory_space<semaphore_mem>>)
    %dma_wait3A_282 = arith.constant 0 : i32
    %dma_wait3A_283 = arith.constant 0 : i32
    %dma_wait3A_284 = tpu.memref_slice %arg4[%dma_wait3A_282, %dma_wait3A_283] : memref<56x1024xf32, #tpu.memory_space<vmem>> -> memref<56x1024xf32, #tpu.memory_space<vmem>>
    %dma_wait3A_285 = arith.constant 0 : i32
    %dma_wait3A_286 = tpu.memref_slice %arg3[%select_n3A_47, %add3A_36, %dma_wait3A_285] : memref<4x8192x1024xf32, #tpu.memory_space<hbm>> -> memref<1x56x1024xf32, #tpu.memory_space<hbm>>
    %dma_wait3A_287 = tpu.memref_squeeze %dma_wait3A_286 : memref<1x56x1024xf32, #tpu.memory_space<hbm>> -> memref<56x1024xf32, #tpu.memory_space<hbm>>
    %dma_wait3A_288 = arith.constant 0 : i32
    %dma_wait3A_289 = tpu.memref_slice %arg3[%select_n3A_47, %add3A_36, %dma_wait3A_288] : memref<4x8192x1024xf32, #tpu.memory_space<hbm>> -> memref<1x56x1024xf32, #tpu.memory_space<hbm>>
    %dma_wait3A_290 = tpu.memref_squeeze %dma_wait3A_289 : memref<1x56x1024xf32, #tpu.memory_space<hbm>> -> memref<56x1024xf32, #tpu.memory_space<hbm>>
    %dma_wait3A_291 = arith.constant 0 : i32
    %dma_wait3A_292 = arith.constant 0 : i32
    %dma_wait3A_293 = tpu.memref_slice %arg4[%dma_wait3A_291, %dma_wait3A_292] : memref<56x1024xf32, #tpu.memory_space<vmem>> -> memref<56x1024xf32, #tpu.memory_space<vmem>>
    tpu.wait_dma2 semaphore(%arg7 : memref<!tpu.dma_semaphore, #tpu.memory_space<semaphore_mem>>) src(%dma_wait3A_293 : memref<56x1024xf32, #tpu.memory_space<vmem>>) dst(%dma_wait3A_290 : memref<56x1024xf32, #tpu.memory_space<hbm>>)
    %dma_wait3A_294 = arith.constant 0 : i32
    %dma_wait3A_295 = arith.constant 0 : i32
    %dma_wait3A_296 = tpu.memref_slice %arg4[%dma_wait3A_294, %dma_wait3A_295] : memref<56x1024xf32, #tpu.memory_space<vmem>> -> memref<56x1024xf32, #tpu.memory_space<vmem>>
    %dma_wait3A_297 = arith.constant 0 : i32
    %dma_wait3A_298 = tpu.memref_slice %arg3[%select_n3A_77, %add3A_36, %dma_wait3A_297] : memref<4x8192x1024xf32, #tpu.memory_space<hbm>> -> memref<1x56x1024xf32, #tpu.memory_space<hbm>>
    %dma_wait3A_299 = tpu.memref_squeeze %dma_wait3A_298 : memref<1x56x1024xf32, #tpu.memory_space<hbm>> -> memref<56x1024xf32, #tpu.memory_space<hbm>>
    %dma_wait3A_300 = arith.constant 0 : i32
    %dma_wait3A_301 = tpu.memref_slice %arg3[%select_n3A_77, %add3A_36, %dma_wait3A_300] : memref<4x8192x1024xf32, #tpu.memory_space<hbm>> -> memref<1x56x1024xf32, #tpu.memory_space<hbm>>
    %dma_wait3A_302 = tpu.memref_squeeze %dma_wait3A_301 : memref<1x56x1024xf32, #tpu.memory_space<hbm>> -> memref<56x1024xf32, #tpu.memory_space<hbm>>
    %dma_wait3A_303 = arith.constant 0 : i32
    %dma_wait3A_304 = arith.constant 0 : i32
    %dma_wait3A_305 = tpu.memref_slice %arg4[%dma_wait3A_303, %dma_wait3A_304] : memref<56x1024xf32, #tpu.memory_space<vmem>> -> memref<56x1024xf32, #tpu.memory_space<vmem>>
    tpu.wait_dma2 semaphore(%arg7 : memref<!tpu.dma_semaphore, #tpu.memory_space<semaphore_mem>>) src(%dma_wait3A_305 : memref<56x1024xf32, #tpu.memory_space<vmem>>) dst(%dma_wait3A_302 : memref<56x1024xf32, #tpu.memory_space<hbm>>)
    %dma_wait3A_306 = arith.constant 0 : i32
    %dma_wait3A_307 = arith.constant 0 : i32
    %dma_wait3A_308 = tpu.memref_slice %arg4[%dma_wait3A_306, %dma_wait3A_307] : memref<56x1024xf32, #tpu.memory_space<vmem>> -> memref<56x1024xf32, #tpu.memory_space<vmem>>
    %dma_wait3A_309 = arith.constant 0 : i32
    %dma_wait3A_310 = tpu.memref_slice %arg3[%select_n3A_107, %add3A_36, %dma_wait3A_309] : memref<4x8192x1024xf32, #tpu.memory_space<hbm>> -> memref<1x56x1024xf32, #tpu.memory_space<hbm>>
    %dma_wait3A_311 = tpu.memref_squeeze %dma_wait3A_310 : memref<1x56x1024xf32, #tpu.memory_space<hbm>> -> memref<56x1024xf32, #tpu.memory_space<hbm>>
    %dma_wait3A_312 = arith.constant 0 : i32
    %dma_wait3A_313 = tpu.memref_slice %arg3[%select_n3A_107, %add3A_36, %dma_wait3A_312] : memref<4x8192x1024xf32, #tpu.memory_space<hbm>> -> memref<1x56x1024xf32, #tpu.memory_space<hbm>>
    %dma_wait3A_314 = tpu.memref_squeeze %dma_wait3A_313 : memref<1x56x1024xf32, #tpu.memory_space<hbm>> -> memref<56x1024xf32, #tpu.memory_space<hbm>>
    %dma_wait3A_315 = arith.constant 0 : i32
    %dma_wait3A_316 = arith.constant 0 : i32
    %dma_wait3A_317 = tpu.memref_slice %arg4[%dma_wait3A_315, %dma_wait3A_316] : memref<56x1024xf32, #tpu.memory_space<vmem>> -> memref<56x1024xf32, #tpu.memory_space<vmem>>
    tpu.wait_dma2 semaphore(%arg7 : memref<!tpu.dma_semaphore, #tpu.memory_space<semaphore_mem>>) src(%dma_wait3A_317 : memref<56x1024xf32, #tpu.memory_space<vmem>>) dst(%dma_wait3A_314 : memref<56x1024xf32, #tpu.memory_space<hbm>>)
    %dma_wait3A_318 = arith.constant 0 : i32
    %dma_wait3A_319 = arith.constant 0 : i32
    %dma_wait3A_320 = tpu.memref_slice %arg4[%dma_wait3A_318, %dma_wait3A_319] : memref<56x1024xf32, #tpu.memory_space<vmem>> -> memref<56x1024xf32, #tpu.memory_space<vmem>>
    %dma_wait3A_321 = arith.constant 0 : i32
    %dma_wait3A_322 = tpu.memref_slice %arg3[%select_n3A_137, %add3A_36, %dma_wait3A_321] : memref<4x8192x1024xf32, #tpu.memory_space<hbm>> -> memref<1x56x1024xf32, #tpu.memory_space<hbm>>
    %dma_wait3A_323 = tpu.memref_squeeze %dma_wait3A_322 : memref<1x56x1024xf32, #tpu.memory_space<hbm>> -> memref<56x1024xf32, #tpu.memory_space<hbm>>
    %dma_wait3A_324 = arith.constant 0 : i32
    %dma_wait3A_325 = tpu.memref_slice %arg3[%select_n3A_137, %add3A_36, %dma_wait3A_324] : memref<4x8192x1024xf32, #tpu.memory_space<hbm>> -> memref<1x56x1024xf32, #tpu.memory_space<hbm>>
    %dma_wait3A_326 = tpu.memref_squeeze %dma_wait3A_325 : memref<1x56x1024xf32, #tpu.memory_space<hbm>> -> memref<56x1024xf32, #tpu.memory_space<hbm>>
    %dma_wait3A_327 = arith.constant 0 : i32
    %dma_wait3A_328 = arith.constant 0 : i32
    %dma_wait3A_329 = tpu.memref_slice %arg4[%dma_wait3A_327, %dma_wait3A_328] : memref<56x1024xf32, #tpu.memory_space<vmem>> -> memref<56x1024xf32, #tpu.memory_space<vmem>>
    tpu.wait_dma2 semaphore(%arg7 : memref<!tpu.dma_semaphore, #tpu.memory_space<semaphore_mem>>) src(%dma_wait3A_329 : memref<56x1024xf32, #tpu.memory_space<vmem>>) dst(%dma_wait3A_326 : memref<56x1024xf32, #tpu.memory_space<hbm>>)
    %add3A_330 = arith.constant 112 : i32
    %add3A_331 = arith.addi %mul3A_2, %add3A_330 : i32
    %dma_start3A_332 = arith.constant 0 : i32
    %dma_start3A_333 = arith.constant 0 : i32
    %dma_start3A_334 = tpu.memref_slice %arg4[%dma_start3A_332, %dma_start3A_333] : memref<56x1024xf32, #tpu.memory_space<vmem>> -> memref<56x1024xf32, #tpu.memory_space<vmem>>
    %dma_start3A_335 = arith.constant 0 : i32
    %dma_start3A_336 = tpu.memref_slice %arg2[%add3A_331, %dma_start3A_335] : memref<8192x1024xf32, #tpu.memory_space<hbm>> -> memref<56x1024xf32, #tpu.memory_space<hbm>>
    %dma_start3A_337 = arith.constant 0 : i32
    %dma_start3A_338 = arith.constant 0 : i32
    %dma_start3A_339 = tpu.memref_slice %arg4[%dma_start3A_337, %dma_start3A_338] : memref<56x1024xf32, #tpu.memory_space<vmem>> -> memref<56x1024xf32, #tpu.memory_space<vmem>>
    %dma_start3A_340 = arith.constant 0 : i32
    %dma_start3A_341 = tpu.memref_slice %arg2[%add3A_331, %dma_start3A_340] : memref<8192x1024xf32, #tpu.memory_space<hbm>> -> memref<56x1024xf32, #tpu.memory_space<hbm>>
    tpu.enqueue_dma source(%dma_start3A_341 : memref<56x1024xf32, #tpu.memory_space<hbm>>) target(%dma_start3A_339 : memref<56x1024xf32, #tpu.memory_space<vmem>>) target_semaphore(%arg6 : memref<!tpu.dma_semaphore, #tpu.memory_space<semaphore_mem>>)
    %dma_wait3A_342 = arith.constant 0 : i32
    %dma_wait3A_343 = arith.constant 0 : i32
    %dma_wait3A_344 = tpu.memref_slice %arg4[%dma_wait3A_342, %dma_wait3A_343] : memref<56x1024xf32, #tpu.memory_space<vmem>> -> memref<56x1024xf32, #tpu.memory_space<vmem>>
    %dma_wait3A_345 = arith.constant 0 : i32
    %dma_wait3A_346 = tpu.memref_slice %arg2[%add3A_331, %dma_wait3A_345] : memref<8192x1024xf32, #tpu.memory_space<hbm>> -> memref<56x1024xf32, #tpu.memory_space<hbm>>
    %dma_wait3A_347 = arith.constant 0 : i32
    %dma_wait3A_348 = arith.constant 0 : i32
    %dma_wait3A_349 = tpu.memref_slice %arg4[%dma_wait3A_347, %dma_wait3A_348] : memref<56x1024xf32, #tpu.memory_space<vmem>> -> memref<56x1024xf32, #tpu.memory_space<vmem>>
    %dma_wait3A_350 = arith.constant 0 : i32
    %dma_wait3A_351 = tpu.memref_slice %arg2[%add3A_331, %dma_wait3A_350] : memref<8192x1024xf32, #tpu.memory_space<hbm>> -> memref<56x1024xf32, #tpu.memory_space<hbm>>
    tpu.wait_dma2 semaphore(%arg6 : memref<!tpu.dma_semaphore, #tpu.memory_space<semaphore_mem>>) src(%dma_wait3A_351 : memref<56x1024xf32, #tpu.memory_space<hbm>>) dst(%dma_wait3A_349 : memref<56x1024xf32, #tpu.memory_space<vmem>>)
    %add3A_352 = arith.constant 112 : i32
    %add3A_353 = arith.addi %mul3A_2, %add3A_352 : i32
    %add3A_354 = arith.constant 0 : i32
    %add3A_355 = arith.addi %add3A, %add3A_354 : i32
    %jit3A_356 = arith.constant 4 : i32
    %eq3A_357 = arith.constant 0 : i32
    %eq3A_358 = arith.cmpi eq, %jit3A_356, %eq3A_357 : i32
    %jit3A_359 = arith.constant 1 : i32
    %select_n3A_360 = arith.select %eq3A_358, %jit3A_359, %jit3A_356 : i32
    %rem3A_361 = arith.remsi %add3A_355, %select_n3A_360 : i32
    %ne3A_362 = arith.constant 0 : i32
    %ne3A_363 = arith.cmpi ne, %rem3A_361, %ne3A_362 : i32
    %lt3A_364 = arith.constant 0 : i32
    %lt3A_365 = arith.cmpi slt, %rem3A_361, %lt3A_364 : i32
    %lt3A_366 = arith.constant 0 : i32
    %lt3A_367 = arith.cmpi slt, %select_n3A_360, %lt3A_366 : i32
    %ne3A_368 = arith.xori %lt3A_365, %lt3A_367 : i1
    %and3A_369 = arith.andi %ne3A_368, %ne3A_363 : i1
    %add3A_370 = arith.addi %rem3A_361, %select_n3A_360 : i32
    %select_n3A_371 = arith.select %and3A_369, %add3A_370, %rem3A_361 : i32
    %dma_start3A_372 = arith.constant 0 : i32
    %dma_start3A_373 = arith.constant 0 : i32
    %dma_start3A_374 = tpu.memref_slice %arg4[%dma_start3A_372, %dma_start3A_373] : memref<56x1024xf32, #tpu.memory_space<vmem>> -> memref<56x1024xf32, #tpu.memory_space<vmem>>
    %dma_start3A_375 = arith.constant 0 : i32
    %dma_start3A_376 = tpu.memref_slice %arg3[%select_n3A_371, %add3A_353, %dma_start3A_375] : memref<4x8192x1024xf32, #tpu.memory_space<hbm>> -> memref<1x56x1024xf32, #tpu.memory_space<hbm>>
    %dma_start3A_377 = tpu.memref_squeeze %dma_start3A_376 : memref<1x56x1024xf32, #tpu.memory_space<hbm>> -> memref<56x1024xf32, #tpu.memory_space<hbm>>
    %dma_start3A_378 = arith.constant 0 : i32
    %dma_start3A_379 = tpu.memref_slice %arg3[%select_n3A_371, %add3A_353, %dma_start3A_378] : memref<4x8192x1024xf32, #tpu.memory_space<hbm>> -> memref<1x56x1024xf32, #tpu.memory_space<hbm>>
    %dma_start3A_380 = tpu.memref_squeeze %dma_start3A_379 : memref<1x56x1024xf32, #tpu.memory_space<hbm>> -> memref<56x1024xf32, #tpu.memory_space<hbm>>
    %dma_start3A_381 = arith.constant 0 : i32
    %dma_start3A_382 = arith.constant 0 : i32
    %dma_start3A_383 = tpu.memref_slice %arg4[%dma_start3A_381, %dma_start3A_382] : memref<56x1024xf32, #tpu.memory_space<vmem>> -> memref<56x1024xf32, #tpu.memory_space<vmem>>
    tpu.enqueue_dma source(%dma_start3A_383 : memref<56x1024xf32, #tpu.memory_space<vmem>>) target(%dma_start3A_380 : memref<56x1024xf32, #tpu.memory_space<hbm>>) target_semaphore(%arg7 : memref<!tpu.dma_semaphore, #tpu.memory_space<semaphore_mem>>)
    %add3A_384 = arith.constant 1 : i32
    %add3A_385 = arith.addi %add3A, %add3A_384 : i32
    %jit3A_386 = arith.constant 4 : i32
    %eq3A_387 = arith.constant 0 : i32
    %eq3A_388 = arith.cmpi eq, %jit3A_386, %eq3A_387 : i32
    %jit3A_389 = arith.constant 1 : i32
    %select_n3A_390 = arith.select %eq3A_388, %jit3A_389, %jit3A_386 : i32
    %rem3A_391 = arith.remsi %add3A_385, %select_n3A_390 : i32
    %ne3A_392 = arith.constant 0 : i32
    %ne3A_393 = arith.cmpi ne, %rem3A_391, %ne3A_392 : i32
    %lt3A_394 = arith.constant 0 : i32
    %lt3A_395 = arith.cmpi slt, %rem3A_391, %lt3A_394 : i32
    %lt3A_396 = arith.constant 0 : i32
    %lt3A_397 = arith.cmpi slt, %select_n3A_390, %lt3A_396 : i32
    %ne3A_398 = arith.xori %lt3A_395, %lt3A_397 : i1
    %and3A_399 = arith.andi %ne3A_398, %ne3A_393 : i1
    %add3A_400 = arith.addi %rem3A_391, %select_n3A_390 : i32
    %select_n3A_401 = arith.select %and3A_399, %add3A_400, %rem3A_391 : i32
    %dma_start3A_402 = arith.constant 0 : i32
    %dma_start3A_403 = arith.constant 0 : i32
    %dma_start3A_404 = tpu.memref_slice %arg4[%dma_start3A_402, %dma_start3A_403] : memref<56x1024xf32, #tpu.memory_space<vmem>> -> memref<56x1024xf32, #tpu.memory_space<vmem>>
    %dma_start3A_405 = arith.constant 0 : i32
    %dma_start3A_406 = tpu.memref_slice %arg3[%select_n3A_401, %add3A_353, %dma_start3A_405] : memref<4x8192x1024xf32, #tpu.memory_space<hbm>> -> memref<1x56x1024xf32, #tpu.memory_space<hbm>>
    %dma_start3A_407 = tpu.memref_squeeze %dma_start3A_406 : memref<1x56x1024xf32, #tpu.memory_space<hbm>> -> memref<56x1024xf32, #tpu.memory_space<hbm>>
    %dma_start3A_408 = arith.constant 0 : i32
    %dma_start3A_409 = tpu.memref_slice %arg3[%select_n3A_401, %add3A_353, %dma_start3A_408] : memref<4x8192x1024xf32, #tpu.memory_space<hbm>> -> memref<1x56x1024xf32, #tpu.memory_space<hbm>>
    %dma_start3A_410 = tpu.memref_squeeze %dma_start3A_409 : memref<1x56x1024xf32, #tpu.memory_space<hbm>> -> memref<56x1024xf32, #tpu.memory_space<hbm>>
    %dma_start3A_411 = arith.constant 0 : i32
    %dma_start3A_412 = arith.constant 0 : i32
    %dma_start3A_413 = tpu.memref_slice %arg4[%dma_start3A_411, %dma_start3A_412] : memref<56x1024xf32, #tpu.memory_space<vmem>> -> memref<56x1024xf32, #tpu.memory_space<vmem>>
    tpu.enqueue_dma source(%dma_start3A_413 : memref<56x1024xf32, #tpu.memory_space<vmem>>) target(%dma_start3A_410 : memref<56x1024xf32, #tpu.memory_space<hbm>>) target_semaphore(%arg7 : memref<!tpu.dma_semaphore, #tpu.memory_space<semaphore_mem>>)
    %add3A_414 = arith.constant 2 : i32
    %add3A_415 = arith.addi %add3A, %add3A_414 : i32
    %jit3A_416 = arith.constant 4 : i32
    %eq3A_417 = arith.constant 0 : i32
    %eq3A_418 = arith.cmpi eq, %jit3A_416, %eq3A_417 : i32
    %jit3A_419 = arith.constant 1 : i32
    %select_n3A_420 = arith.select %eq3A_418, %jit3A_419, %jit3A_416 : i32
    %rem3A_421 = arith.remsi %add3A_415, %select_n3A_420 : i32
    %ne3A_422 = arith.constant 0 : i32
    %ne3A_423 = arith.cmpi ne, %rem3A_421, %ne3A_422 : i32
    %lt3A_424 = arith.constant 0 : i32
    %lt3A_425 = arith.cmpi slt, %rem3A_421, %lt3A_424 : i32
    %lt3A_426 = arith.constant 0 : i32
    %lt3A_427 = arith.cmpi slt, %select_n3A_420, %lt3A_426 : i32
    %ne3A_428 = arith.xori %lt3A_425, %lt3A_427 : i1
    %and3A_429 = arith.andi %ne3A_428, %ne3A_423 : i1
    %add3A_430 = arith.addi %rem3A_421, %select_n3A_420 : i32
    %select_n3A_431 = arith.select %and3A_429, %add3A_430, %rem3A_421 : i32
    %dma_start3A_432 = arith.constant 0 : i32
    %dma_start3A_433 = arith.constant 0 : i32
    %dma_start3A_434 = tpu.memref_slice %arg4[%dma_start3A_432, %dma_start3A_433] : memref<56x1024xf32, #tpu.memory_space<vmem>> -> memref<56x1024xf32, #tpu.memory_space<vmem>>
    %dma_start3A_435 = arith.constant 0 : i32
    %dma_start3A_436 = tpu.memref_slice %arg3[%select_n3A_431, %add3A_353, %dma_start3A_435] : memref<4x8192x1024xf32, #tpu.memory_space<hbm>> -> memref<1x56x1024xf32, #tpu.memory_space<hbm>>
    %dma_start3A_437 = tpu.memref_squeeze %dma_start3A_436 : memref<1x56x1024xf32, #tpu.memory_space<hbm>> -> memref<56x1024xf32, #tpu.memory_space<hbm>>
    %dma_start3A_438 = arith.constant 0 : i32
    %dma_start3A_439 = tpu.memref_slice %arg3[%select_n3A_431, %add3A_353, %dma_start3A_438] : memref<4x8192x1024xf32, #tpu.memory_space<hbm>> -> memref<1x56x1024xf32, #tpu.memory_space<hbm>>
    %dma_start3A_440 = tpu.memref_squeeze %dma_start3A_439 : memref<1x56x1024xf32, #tpu.memory_space<hbm>> -> memref<56x1024xf32, #tpu.memory_space<hbm>>
    %dma_start3A_441 = arith.constant 0 : i32
    %dma_start3A_442 = arith.constant 0 : i32
    %dma_start3A_443 = tpu.memref_slice %arg4[%dma_start3A_441, %dma_start3A_442] : memref<56x1024xf32, #tpu.memory_space<vmem>> -> memref<56x1024xf32, #tpu.memory_space<vmem>>
    tpu.enqueue_dma source(%dma_start3A_443 : memref<56x1024xf32, #tpu.memory_space<vmem>>) target(%dma_start3A_440 : memref<56x1024xf32, #tpu.memory_space<hbm>>) target_semaphore(%arg7 : memref<!tpu.dma_semaphore, #tpu.memory_space<semaphore_mem>>)
    %add3A_444 = arith.constant 3 : i32
    %add3A_445 = arith.addi %add3A, %add3A_444 : i32
    %jit3A_446 = arith.constant 4 : i32
    %eq3A_447 = arith.constant 0 : i32
    %eq3A_448 = arith.cmpi eq, %jit3A_446, %eq3A_447 : i32
    %jit3A_449 = arith.constant 1 : i32
    %select_n3A_450 = arith.select %eq3A_448, %jit3A_449, %jit3A_446 : i32
    %rem3A_451 = arith.remsi %add3A_445, %select_n3A_450 : i32
    %ne3A_452 = arith.constant 0 : i32
    %ne3A_453 = arith.cmpi ne, %rem3A_451, %ne3A_452 : i32
    %lt3A_454 = arith.constant 0 : i32
    %lt3A_455 = arith.cmpi slt, %rem3A_451, %lt3A_454 : i32
    %lt3A_456 = arith.constant 0 : i32
    %lt3A_457 = arith.cmpi slt, %select_n3A_450, %lt3A_456 : i32
    %ne3A_458 = arith.xori %lt3A_455, %lt3A_457 : i1
    %and3A_459 = arith.andi %ne3A_458, %ne3A_453 : i1
    %add3A_460 = arith.addi %rem3A_451, %select_n3A_450 : i32
    %select_n3A_461 = arith.select %and3A_459, %add3A_460, %rem3A_451 : i32
    %dma_start3A_462 = arith.constant 0 : i32
    %dma_start3A_463 = arith.constant 0 : i32
    %dma_start3A_464 = tpu.memref_slice %arg4[%dma_start3A_462, %dma_start3A_463] : memref<56x1024xf32, #tpu.memory_space<vmem>> -> memref<56x1024xf32, #tpu.memory_space<vmem>>
    %dma_start3A_465 = arith.constant 0 : i32
    %dma_start3A_466 = tpu.memref_slice %arg3[%select_n3A_461, %add3A_353, %dma_start3A_465] : memref<4x8192x1024xf32, #tpu.memory_space<hbm>> -> memref<1x56x1024xf32, #tpu.memory_space<hbm>>
    %dma_start3A_467 = tpu.memref_squeeze %dma_start3A_466 : memref<1x56x1024xf32, #tpu.memory_space<hbm>> -> memref<56x1024xf32, #tpu.memory_space<hbm>>
    %dma_start3A_468 = arith.constant 0 : i32
    %dma_start3A_469 = tpu.memref_slice %arg3[%select_n3A_461, %add3A_353, %dma_start3A_468] : memref<4x8192x1024xf32, #tpu.memory_space<hbm>> -> memref<1x56x1024xf32, #tpu.memory_space<hbm>>
    %dma_start3A_470 = tpu.memref_squeeze %dma_start3A_469 : memref<1x56x1024xf32, #tpu.memory_space<hbm>> -> memref<56x1024xf32, #tpu.memory_space<hbm>>
    %dma_start3A_471 = arith.constant 0 : i32
    %dma_start3A_472 = arith.constant 0 : i32
    %dma_start3A_473 = tpu.memref_slice %arg4[%dma_start3A_471, %dma_start3A_472] : memref<56x1024xf32, #tpu.memory_space<vmem>> -> memref<56x1024xf32, #tpu.memory_space<vmem>>
    tpu.enqueue_dma source(%dma_start3A_473 : memref<56x1024xf32, #tpu.memory_space<vmem>>) target(%dma_start3A_470 : memref<56x1024xf32, #tpu.memory_space<hbm>>) target_semaphore(%arg7 : memref<!tpu.dma_semaphore, #tpu.memory_space<semaphore_mem>>)
    %dma_wait3A_474 = arith.constant 0 : i32
    %dma_wait3A_475 = arith.constant 0 : i32
    %dma_wait3A_476 = tpu.memref_slice %arg5[%dma_wait3A_474, %dma_wait3A_475] : memref<56x1024xf32, #tpu.memory_space<vmem>> -> memref<56x1024xf32, #tpu.memory_space<vmem>>
    %dma_wait3A_477 = arith.constant 0 : i32
    %dma_wait3A_478 = tpu.memref_slice %arg3[%select_n3A_179, %add3A_161, %dma_wait3A_477] : memref<4x8192x1024xf32, #tpu.memory_space<hbm>> -> memref<1x56x1024xf32, #tpu.memory_space<hbm>>
    %dma_wait3A_479 = tpu.memref_squeeze %dma_wait3A_478 : memref<1x56x1024xf32, #tpu.memory_space<hbm>> -> memref<56x1024xf32, #tpu.memory_space<hbm>>
    %dma_wait3A_480 = arith.constant 0 : i32
    %dma_wait3A_481 = tpu.memref_slice %arg3[%select_n3A_179, %add3A_161, %dma_wait3A_480] : memref<4x8192x1024xf32, #tpu.memory_space<hbm>> -> memref<1x56x1024xf32, #tpu.memory_space<hbm>>
    %dma_wait3A_482 = tpu.memref_squeeze %dma_wait3A_481 : memref<1x56x1024xf32, #tpu.memory_space<hbm>> -> memref<56x1024xf32, #tpu.memory_space<hbm>>
    %dma_wait3A_483 = arith.constant 0 : i32
    %dma_wait3A_484 = arith.constant 0 : i32
    %dma_wait3A_485 = tpu.memref_slice %arg5[%dma_wait3A_483, %dma_wait3A_484] : memref<56x1024xf32, #tpu.memory_space<vmem>> -> memref<56x1024xf32, #tpu.memory_space<vmem>>
    tpu.wait_dma2 semaphore(%arg8 : memref<!tpu.dma_semaphore, #tpu.memory_space<semaphore_mem>>) src(%dma_wait3A_485 : memref<56x1024xf32, #tpu.memory_space<vmem>>) dst(%dma_wait3A_482 : memref<56x1024xf32, #tpu.memory_space<hbm>>)
    %dma_wait3A_486 = arith.constant 0 : i32
    %dma_wait3A_487 = arith.constant 0 : i32
    %dma_wait3A_488 = tpu.memref_slice %arg5[%dma_wait3A_486, %dma_wait3A_487] : memref<56x1024xf32, #tpu.memory_space<vmem>> -> memref<56x1024xf32, #tpu.memory_space<vmem>>
    %dma_wait3A_489 = arith.constant 0 : i32
    %dma_wait3A_490 = tpu.memref_slice %arg3[%select_n3A_209, %add3A_161, %dma_wait3A_489] : memref<4x8192x1024xf32, #tpu.memory_space<hbm>> -> memref<1x56x1024xf32, #tpu.memory_space<hbm>>
    %dma_wait3A_491 = tpu.memref_squeeze %dma_wait3A_490 : memref<1x56x1024xf32, #tpu.memory_space<hbm>> -> memref<56x1024xf32, #tpu.memory_space<hbm>>
    %dma_wait3A_492 = arith.constant 0 : i32
    %dma_wait3A_493 = tpu.memref_slice %arg3[%select_n3A_209, %add3A_161, %dma_wait3A_492] : memref<4x8192x1024xf32, #tpu.memory_space<hbm>> -> memref<1x56x1024xf32, #tpu.memory_space<hbm>>
    %dma_wait3A_494 = tpu.memref_squeeze %dma_wait3A_493 : memref<1x56x1024xf32, #tpu.memory_space<hbm>> -> memref<56x1024xf32, #tpu.memory_space<hbm>>
    %dma_wait3A_495 = arith.constant 0 : i32
    %dma_wait3A_496 = arith.constant 0 : i32
    %dma_wait3A_497 = tpu.memref_slice %arg5[%dma_wait3A_495, %dma_wait3A_496] : memref<56x1024xf32, #tpu.memory_space<vmem>> -> memref<56x1024xf32, #tpu.memory_space<vmem>>
    tpu.wait_dma2 semaphore(%arg8 : memref<!tpu.dma_semaphore, #tpu.memory_space<semaphore_mem>>) src(%dma_wait3A_497 : memref<56x1024xf32, #tpu.memory_space<vmem>>) dst(%dma_wait3A_494 : memref<56x1024xf32, #tpu.memory_space<hbm>>)
    %dma_wait3A_498 = arith.constant 0 : i32
    %dma_wait3A_499 = arith.constant 0 : i32
    %dma_wait3A_500 = tpu.memref_slice %arg5[%dma_wait3A_498, %dma_wait3A_499] : memref<56x1024xf32, #tpu.memory_space<vmem>> -> memref<56x1024xf32, #tpu.memory_space<vmem>>
    %dma_wait3A_501 = arith.constant 0 : i32
    %dma_wait3A_502 = tpu.memref_slice %arg3[%select_n3A_239, %add3A_161, %dma_wait3A_501] : memref<4x8192x1024xf32, #tpu.memory_space<hbm>> -> memref<1x56x1024xf32, #tpu.memory_space<hbm>>
    %dma_wait3A_503 = tpu.memref_squeeze %dma_wait3A_502 : memref<1x56x1024xf32, #tpu.memory_space<hbm>> -> memref<56x1024xf32, #tpu.memory_space<hbm>>
    %dma_wait3A_504 = arith.constant 0 : i32
    %dma_wait3A_505 = tpu.memref_slice %arg3[%select_n3A_239, %add3A_161, %dma_wait3A_504] : memref<4x8192x1024xf32, #tpu.memory_space<hbm>> -> memref<1x56x1024xf32, #tpu.memory_space<hbm>>
    %dma_wait3A_506 = tpu.memref_squeeze %dma_wait3A_505 : memref<1x56x1024xf32, #tpu.memory_space<hbm>> -> memref<56x1024xf32, #tpu.memory_space<hbm>>
    %dma_wait3A_507 = arith.constant 0 : i32
    %dma_wait3A_508 = arith.constant 0 : i32
    %dma_wait3A_509 = tpu.memref_slice %arg5[%dma_wait3A_507, %dma_wait3A_508] : memref<56x1024xf32, #tpu.memory_space<vmem>> -> memref<56x1024xf32, #tpu.memory_space<vmem>>
    tpu.wait_dma2 semaphore(%arg8 : memref<!tpu.dma_semaphore, #tpu.memory_space<semaphore_mem>>) src(%dma_wait3A_509 : memref<56x1024xf32, #tpu.memory_space<vmem>>) dst(%dma_wait3A_506 : memref<56x1024xf32, #tpu.memory_space<hbm>>)
    %dma_wait3A_510 = arith.constant 0 : i32
    %dma_wait3A_511 = arith.constant 0 : i32
    %dma_wait3A_512 = tpu.memref_slice %arg5[%dma_wait3A_510, %dma_wait3A_511] : memref<56x1024xf32, #tpu.memory_space<vmem>> -> memref<56x1024xf32, #tpu.memory_space<vmem>>
    %dma_wait3A_513 = arith.constant 0 : i32
    %dma_wait3A_514 = tpu.memref_slice %arg3[%select_n3A_269, %add3A_161, %dma_wait3A_513] : memref<4x8192x1024xf32, #tpu.memory_space<hbm>> -> memref<1x56x1024xf32, #tpu.memory_space<hbm>>
    %dma_wait3A_515 = tpu.memref_squeeze %dma_wait3A_514 : memref<1x56x1024xf32, #tpu.memory_space<hbm>> -> memref<56x1024xf32, #tpu.memory_space<hbm>>
    %dma_wait3A_516 = arith.constant 0 : i32
    %dma_wait3A_517 = tpu.memref_slice %arg3[%select_n3A_269, %add3A_161, %dma_wait3A_516] : memref<4x8192x1024xf32, #tpu.memory_space<hbm>> -> memref<1x56x1024xf32, #tpu.memory_space<hbm>>
    %dma_wait3A_518 = tpu.memref_squeeze %dma_wait3A_517 : memref<1x56x1024xf32, #tpu.memory_space<hbm>> -> memref<56x1024xf32, #tpu.memory_space<hbm>>
    %dma_wait3A_519 = arith.constant 0 : i32
    %dma_wait3A_520 = arith.constant 0 : i32
    %dma_wait3A_521 = tpu.memref_slice %arg5[%dma_wait3A_519, %dma_wait3A_520] : memref<56x1024xf32, #tpu.memory_space<vmem>> -> memref<56x1024xf32, #tpu.memory_space<vmem>>
    tpu.wait_dma2 semaphore(%arg8 : memref<!tpu.dma_semaphore, #tpu.memory_space<semaphore_mem>>) src(%dma_wait3A_521 : memref<56x1024xf32, #tpu.memory_space<vmem>>) dst(%dma_wait3A_518 : memref<56x1024xf32, #tpu.memory_space<hbm>>)
    %add3A_522 = arith.constant 168 : i32
    %add3A_523 = arith.addi %mul3A_2, %add3A_522 : i32
    %dma_start3A_524 = arith.constant 0 : i32
    %dma_start3A_525 = arith.constant 0 : i32
    %dma_start3A_526 = tpu.memref_slice %arg5[%dma_start3A_524, %dma_start3A_525] : memref<56x1024xf32, #tpu.memory_space<vmem>> -> memref<56x1024xf32, #tpu.memory_space<vmem>>
    %dma_start3A_527 = arith.constant 0 : i32
    %dma_start3A_528 = tpu.memref_slice %arg2[%add3A_523, %dma_start3A_527] : memref<8192x1024xf32, #tpu.memory_space<hbm>> -> memref<56x1024xf32, #tpu.memory_space<hbm>>
    %dma_start3A_529 = arith.constant 0 : i32
    %dma_start3A_530 = arith.constant 0 : i32
    %dma_start3A_531 = tpu.memref_slice %arg5[%dma_start3A_529, %dma_start3A_530] : memref<56x1024xf32, #tpu.memory_space<vmem>> -> memref<56x1024xf32, #tpu.memory_space<vmem>>
    %dma_start3A_532 = arith.constant 0 : i32
    %dma_start3A_533 = tpu.memref_slice %arg2[%add3A_523, %dma_start3A_532] : memref<8192x1024xf32, #tpu.memory_space<hbm>> -> memref<56x1024xf32, #tpu.memory_space<hbm>>
    tpu.enqueue_dma source(%dma_start3A_533 : memref<56x1024xf32, #tpu.memory_space<hbm>>) target(%dma_start3A_531 : memref<56x1024xf32, #tpu.memory_space<vmem>>) target_semaphore(%arg6 : memref<!tpu.dma_semaphore, #tpu.memory_space<semaphore_mem>>)
    %dma_wait3A_534 = arith.constant 0 : i32
    %dma_wait3A_535 = arith.constant 0 : i32
    %dma_wait3A_536 = tpu.memref_slice %arg5[%dma_wait3A_534, %dma_wait3A_535] : memref<56x1024xf32, #tpu.memory_space<vmem>> -> memref<56x1024xf32, #tpu.memory_space<vmem>>
    %dma_wait3A_537 = arith.constant 0 : i32
    %dma_wait3A_538 = tpu.memref_slice %arg2[%add3A_523, %dma_wait3A_537] : memref<8192x1024xf32, #tpu.memory_space<hbm>> -> memref<56x1024xf32, #tpu.memory_space<hbm>>
    %dma_wait3A_539 = arith.constant 0 : i32
    %dma_wait3A_540 = arith.constant 0 : i32
    %dma_wait3A_541 = tpu.memref_slice %arg5[%dma_wait3A_539, %dma_wait3A_540] : memref<56x1024xf32, #tpu.memory_space<vmem>> -> memref<56x1024xf32, #tpu.memory_space<vmem>>
    %dma_wait3A_542 = arith.constant 0 : i32
    %dma_wait3A_543 = tpu.memref_slice %arg2[%add3A_523, %dma_wait3A_542] : memref<8192x1024xf32, #tpu.memory_space<hbm>> -> memref<56x1024xf32, #tpu.memory_space<hbm>>
    tpu.wait_dma2 semaphore(%arg6 : memref<!tpu.dma_semaphore, #tpu.memory_space<semaphore_mem>>) src(%dma_wait3A_543 : memref<56x1024xf32, #tpu.memory_space<hbm>>) dst(%dma_wait3A_541 : memref<56x1024xf32, #tpu.memory_space<vmem>>)
    %add3A_544 = arith.constant 168 : i32
    %add3A_545 = arith.addi %mul3A_2, %add3A_544 : i32
    %add3A_546 = arith.constant 0 : i32
    %add3A_547 = arith.addi %add3A, %add3A_546 : i32
    %jit3A_548 = arith.constant 4 : i32
    %eq3A_549 = arith.constant 0 : i32
    %eq3A_550 = arith.cmpi eq, %jit3A_548, %eq3A_549 : i32
    %jit3A_551 = arith.constant 1 : i32
    %select_n3A_552 = arith.select %eq3A_550, %jit3A_551, %jit3A_548 : i32
    %rem3A_553 = arith.remsi %add3A_547, %select_n3A_552 : i32
    %ne3A_554 = arith.constant 0 : i32
    %ne3A_555 = arith.cmpi ne, %rem3A_553, %ne3A_554 : i32
    %lt3A_556 = arith.constant 0 : i32
    %lt3A_557 = arith.cmpi slt, %rem3A_553, %lt3A_556 : i32
    %lt3A_558 = arith.constant 0 : i32
    %lt3A_559 = arith.cmpi slt, %select_n3A_552, %lt3A_558 : i32
    %ne3A_560 = arith.xori %lt3A_557, %lt3A_559 : i1
    %and3A_561 = arith.andi %ne3A_560, %ne3A_555 : i1
    %add3A_562 = arith.addi %rem3A_553, %select_n3A_552 : i32
    %select_n3A_563 = arith.select %and3A_561, %add3A_562, %rem3A_553 : i32
    %dma_start3A_564 = arith.constant 0 : i32
    %dma_start3A_565 = arith.constant 0 : i32
    %dma_start3A_566 = tpu.memref_slice %arg5[%dma_start3A_564, %dma_start3A_565] : memref<56x1024xf32, #tpu.memory_space<vmem>> -> memref<56x1024xf32, #tpu.memory_space<vmem>>
    %dma_start3A_567 = arith.constant 0 : i32
    %dma_start3A_568 = tpu.memref_slice %arg3[%select_n3A_563, %add3A_545, %dma_start3A_567] : memref<4x8192x1024xf32, #tpu.memory_space<hbm>> -> memref<1x56x1024xf32, #tpu.memory_space<hbm>>
    %dma_start3A_569 = tpu.memref_squeeze %dma_start3A_568 : memref<1x56x1024xf32, #tpu.memory_space<hbm>> -> memref<56x1024xf32, #tpu.memory_space<hbm>>
    %dma_start3A_570 = arith.constant 0 : i32
    %dma_start3A_571 = tpu.memref_slice %arg3[%select_n3A_563, %add3A_545, %dma_start3A_570] : memref<4x8192x1024xf32, #tpu.memory_space<hbm>> -> memref<1x56x1024xf32, #tpu.memory_space<hbm>>
    %dma_start3A_572 = tpu.memref_squeeze %dma_start3A_571 : memref<1x56x1024xf32, #tpu.memory_space<hbm>> -> memref<56x1024xf32, #tpu.memory_space<hbm>>
    %dma_start3A_573 = arith.constant 0 : i32
    %dma_start3A_574 = arith.constant 0 : i32
    %dma_start3A_575 = tpu.memref_slice %arg5[%dma_start3A_573, %dma_start3A_574] : memref<56x1024xf32, #tpu.memory_space<vmem>> -> memref<56x1024xf32, #tpu.memory_space<vmem>>
    tpu.enqueue_dma source(%dma_start3A_575 : memref<56x1024xf32, #tpu.memory_space<vmem>>) target(%dma_start3A_572 : memref<56x1024xf32, #tpu.memory_space<hbm>>) target_semaphore(%arg8 : memref<!tpu.dma_semaphore, #tpu.memory_space<semaphore_mem>>)
    %add3A_576 = arith.constant 1 : i32
    %add3A_577 = arith.addi %add3A, %add3A_576 : i32
    %jit3A_578 = arith.constant 4 : i32
    %eq3A_579 = arith.constant 0 : i32
    %eq3A_580 = arith.cmpi eq, %jit3A_578, %eq3A_579 : i32
    %jit3A_581 = arith.constant 1 : i32
    %select_n3A_582 = arith.select %eq3A_580, %jit3A_581, %jit3A_578 : i32
    %rem3A_583 = arith.remsi %add3A_577, %select_n3A_582 : i32
    %ne3A_584 = arith.constant 0 : i32
    %ne3A_585 = arith.cmpi ne, %rem3A_583, %ne3A_584 : i32
    %lt3A_586 = arith.constant 0 : i32
    %lt3A_587 = arith.cmpi slt, %rem3A_583, %lt3A_586 : i32
    %lt3A_588 = arith.constant 0 : i32
    %lt3A_589 = arith.cmpi slt, %select_n3A_582, %lt3A_588 : i32
    %ne3A_590 = arith.xori %lt3A_587, %lt3A_589 : i1
    %and3A_591 = arith.andi %ne3A_590, %ne3A_585 : i1
    %add3A_592 = arith.addi %rem3A_583, %select_n3A_582 : i32
    %select_n3A_593 = arith.select %and3A_591, %add3A_592, %rem3A_583 : i32
    %dma_start3A_594 = arith.constant 0 : i32
    %dma_start3A_595 = arith.constant 0 : i32
    %dma_start3A_596 = tpu.memref_slice %arg5[%dma_start3A_594, %dma_start3A_595] : memref<56x1024xf32, #tpu.memory_space<vmem>> -> memref<56x1024xf32, #tpu.memory_space<vmem>>
    %dma_start3A_597 = arith.constant 0 : i32
    %dma_start3A_598 = tpu.memref_slice %arg3[%select_n3A_593, %add3A_545, %dma_start3A_597] : memref<4x8192x1024xf32, #tpu.memory_space<hbm>> -> memref<1x56x1024xf32, #tpu.memory_space<hbm>>
    %dma_start3A_599 = tpu.memref_squeeze %dma_start3A_598 : memref<1x56x1024xf32, #tpu.memory_space<hbm>> -> memref<56x1024xf32, #tpu.memory_space<hbm>>
    %dma_start3A_600 = arith.constant 0 : i32
    %dma_start3A_601 = tpu.memref_slice %arg3[%select_n3A_593, %add3A_545, %dma_start3A_600] : memref<4x8192x1024xf32, #tpu.memory_space<hbm>> -> memref<1x56x1024xf32, #tpu.memory_space<hbm>>
    %dma_start3A_602 = tpu.memref_squeeze %dma_start3A_601 : memref<1x56x1024xf32, #tpu.memory_space<hbm>> -> memref<56x1024xf32, #tpu.memory_space<hbm>>
    %dma_start3A_603 = arith.constant 0 : i32
    %dma_start3A_604 = arith.constant 0 : i32
    %dma_start3A_605 = tpu.memref_slice %arg5[%dma_start3A_603, %dma_start3A_604] : memref<56x1024xf32, #tpu.memory_space<vmem>> -> memref<56x1024xf32, #tpu.memory_space<vmem>>
    tpu.enqueue_dma source(%dma_start3A_605 : memref<56x1024xf32, #tpu.memory_space<vmem>>) target(%dma_start3A_602 : memref<56x1024xf32, #tpu.memory_space<hbm>>) target_semaphore(%arg8 : memref<!tpu.dma_semaphore, #tpu.memory_space<semaphore_mem>>)
    %add3A_606 = arith.constant 2 : i32
    %add3A_607 = arith.addi %add3A, %add3A_606 : i32
    %jit3A_608 = arith.constant 4 : i32
    %eq3A_609 = arith.constant 0 : i32
    %eq3A_610 = arith.cmpi eq, %jit3A_608, %eq3A_609 : i32
    %jit3A_611 = arith.constant 1 : i32
    %select_n3A_612 = arith.select %eq3A_610, %jit3A_611, %jit3A_608 : i32
    %rem3A_613 = arith.remsi %add3A_607, %select_n3A_612 : i32
    %ne3A_614 = arith.constant 0 : i32
    %ne3A_615 = arith.cmpi ne, %rem3A_613, %ne3A_614 : i32
    %lt3A_616 = arith.constant 0 : i32
    %lt3A_617 = arith.cmpi slt, %rem3A_613, %lt3A_616 : i32
    %lt3A_618 = arith.constant 0 : i32
    %lt3A_619 = arith.cmpi slt, %select_n3A_612, %lt3A_618 : i32
    %ne3A_620 = arith.xori %lt3A_617, %lt3A_619 : i1
    %and3A_621 = arith.andi %ne3A_620, %ne3A_615 : i1
    %add3A_622 = arith.addi %rem3A_613, %select_n3A_612 : i32
    %select_n3A_623 = arith.select %and3A_621, %add3A_622, %rem3A_613 : i32
    %dma_start3A_624 = arith.constant 0 : i32
    %dma_start3A_625 = arith.constant 0 : i32
    %dma_start3A_626 = tpu.memref_slice %arg5[%dma_start3A_624, %dma_start3A_625] : memref<56x1024xf32, #tpu.memory_space<vmem>> -> memref<56x1024xf32, #tpu.memory_space<vmem>>
    %dma_start3A_627 = arith.constant 0 : i32
    %dma_start3A_628 = tpu.memref_slice %arg3[%select_n3A_623, %add3A_545, %dma_start3A_627] : memref<4x8192x1024xf32, #tpu.memory_space<hbm>> -> memref<1x56x1024xf32, #tpu.memory_space<hbm>>
    %dma_start3A_629 = tpu.memref_squeeze %dma_start3A_628 : memref<1x56x1024xf32, #tpu.memory_space<hbm>> -> memref<56x1024xf32, #tpu.memory_space<hbm>>
    %dma_start3A_630 = arith.constant 0 : i32
    %dma_start3A_631 = tpu.memref_slice %arg3[%select_n3A_623, %add3A_545, %dma_start3A_630] : memref<4x8192x1024xf32, #tpu.memory_space<hbm>> -> memref<1x56x1024xf32, #tpu.memory_space<hbm>>
    %dma_start3A_632 = tpu.memref_squeeze %dma_start3A_631 : memref<1x56x1024xf32, #tpu.memory_space<hbm>> -> memref<56x1024xf32, #tpu.memory_space<hbm>>
    %dma_start3A_633 = arith.constant 0 : i32
    %dma_start3A_634 = arith.constant 0 : i32
    %dma_start3A_635 = tpu.memref_slice %arg5[%dma_start3A_633, %dma_start3A_634] : memref<56x1024xf32, #tpu.memory_space<vmem>> -> memref<56x1024xf32, #tpu.memory_space<vmem>>
    tpu.enqueue_dma source(%dma_start3A_635 : memref<56x1024xf32, #tpu.memory_space<vmem>>) target(%dma_start3A_632 : memref<56x1024xf32, #tpu.memory_space<hbm>>) target_semaphore(%arg8 : memref<!tpu.dma_semaphore, #tpu.memory_space<semaphore_mem>>)
    %add3A_636 = arith.constant 3 : i32
    %add3A_637 = arith.addi %add3A, %add3A_636 : i32
    %jit3A_638 = arith.constant 4 : i32
    %eq3A_639 = arith.constant 0 : i32
    %eq3A_640 = arith.cmpi eq, %jit3A_638, %eq3A_639 : i32
    %jit3A_641 = arith.constant 1 : i32
    %select_n3A_642 = arith.select %eq3A_640, %jit3A_641, %jit3A_638 : i32
    %rem3A_643 = arith.remsi %add3A_637, %select_n3A_642 : i32
    %ne3A_644 = arith.constant 0 : i32
    %ne3A_645 = arith.cmpi ne, %rem3A_643, %ne3A_644 : i32
    %lt3A_646 = arith.constant 0 : i32
    %lt3A_647 = arith.cmpi slt, %rem3A_643, %lt3A_646 : i32
    %lt3A_648 = arith.constant 0 : i32
    %lt3A_649 = arith.cmpi slt, %select_n3A_642, %lt3A_648 : i32
    %ne3A_650 = arith.xori %lt3A_647, %lt3A_649 : i1
    %and3A_651 = arith.andi %ne3A_650, %ne3A_645 : i1
    %add3A_652 = arith.addi %rem3A_643, %select_n3A_642 : i32
    %select_n3A_653 = arith.select %and3A_651, %add3A_652, %rem3A_643 : i32
    %dma_start3A_654 = arith.constant 0 : i32
    %dma_start3A_655 = arith.constant 0 : i32
    %dma_start3A_656 = tpu.memref_slice %arg5[%dma_start3A_654, %dma_start3A_655] : memref<56x1024xf32, #tpu.memory_space<vmem>> -> memref<56x1024xf32, #tpu.memory_space<vmem>>
    %dma_start3A_657 = arith.constant 0 : i32
    %dma_start3A_658 = tpu.memref_slice %arg3[%select_n3A_653, %add3A_545, %dma_start3A_657] : memref<4x8192x1024xf32, #tpu.memory_space<hbm>> -> memref<1x56x1024xf32, #tpu.memory_space<hbm>>
    %dma_start3A_659 = tpu.memref_squeeze %dma_start3A_658 : memref<1x56x1024xf32, #tpu.memory_space<hbm>> -> memref<56x1024xf32, #tpu.memory_space<hbm>>
    %dma_start3A_660 = arith.constant 0 : i32
    %dma_start3A_661 = tpu.memref_slice %arg3[%select_n3A_653, %add3A_545, %dma_start3A_660] : memref<4x8192x1024xf32, #tpu.memory_space<hbm>> -> memref<1x56x1024xf32, #tpu.memory_space<hbm>>
    %dma_start3A_662 = tpu.memref_squeeze %dma_start3A_661 : memref<1x56x1024xf32, #tpu.memory_space<hbm>> -> memref<56x1024xf32, #tpu.memory_space<hbm>>
    %dma_start3A_663 = arith.constant 0 : i32
    %dma_start3A_664 = arith.constant 0 : i32
    %dma_start3A_665 = tpu.memref_slice %arg5[%dma_start3A_663, %dma_start3A_664] : memref<56x1024xf32, #tpu.memory_space<vmem>> -> memref<56x1024xf32, #tpu.memory_space<vmem>>
    tpu.enqueue_dma source(%dma_start3A_665 : memref<56x1024xf32, #tpu.memory_space<vmem>>) target(%dma_start3A_662 : memref<56x1024xf32, #tpu.memory_space<hbm>>) target_semaphore(%arg8 : memref<!tpu.dma_semaphore, #tpu.memory_space<semaphore_mem>>)
    %dma_wait3A_666 = arith.constant 0 : i32
    %dma_wait3A_667 = arith.constant 0 : i32
    %dma_wait3A_668 = tpu.memref_slice %arg4[%dma_wait3A_666, %dma_wait3A_667] : memref<56x1024xf32, #tpu.memory_space<vmem>> -> memref<56x1024xf32, #tpu.memory_space<vmem>>
    %dma_wait3A_669 = arith.constant 0 : i32
    %dma_wait3A_670 = tpu.memref_slice %arg3[%select_n3A_371, %add3A_353, %dma_wait3A_669] : memref<4x8192x1024xf32, #tpu.memory_space<hbm>> -> memref<1x56x1024xf32, #tpu.memory_space<hbm>>
    %dma_wait3A_671 = tpu.memref_squeeze %dma_wait3A_670 : memref<1x56x1024xf32, #tpu.memory_space<hbm>> -> memref<56x1024xf32, #tpu.memory_space<hbm>>
    %dma_wait3A_672 = arith.constant 0 : i32
    %dma_wait3A_673 = tpu.memref_slice %arg3[%select_n3A_371, %add3A_353, %dma_wait3A_672] : memref<4x8192x1024xf32, #tpu.memory_space<hbm>> -> memref<1x56x1024xf32, #tpu.memory_space<hbm>>
    %dma_wait3A_674 = tpu.memref_squeeze %dma_wait3A_673 : memref<1x56x1024xf32, #tpu.memory_space<hbm>> -> memref<56x1024xf32, #tpu.memory_space<hbm>>
    %dma_wait3A_675 = arith.constant 0 : i32
    %dma_wait3A_676 = arith.constant 0 : i32
    %dma_wait3A_677 = tpu.memref_slice %arg4[%dma_wait3A_675, %dma_wait3A_676] : memref<56x1024xf32, #tpu.memory_space<vmem>> -> memref<56x1024xf32, #tpu.memory_space<vmem>>
    tpu.wait_dma2 semaphore(%arg7 : memref<!tpu.dma_semaphore, #tpu.memory_space<semaphore_mem>>) src(%dma_wait3A_677 : memref<56x1024xf32, #tpu.memory_space<vmem>>) dst(%dma_wait3A_674 : memref<56x1024xf32, #tpu.memory_space<hbm>>)
    %dma_wait3A_678 = arith.constant 0 : i32
    %dma_wait3A_679 = arith.constant 0 : i32
    %dma_wait3A_680 = tpu.memref_slice %arg4[%dma_wait3A_678, %dma_wait3A_679] : memref<56x1024xf32, #tpu.memory_space<vmem>> -> memref<56x1024xf32, #tpu.memory_space<vmem>>
    %dma_wait3A_681 = arith.constant 0 : i32
    %dma_wait3A_682 = tpu.memref_slice %arg3[%select_n3A_401, %add3A_353, %dma_wait3A_681] : memref<4x8192x1024xf32, #tpu.memory_space<hbm>> -> memref<1x56x1024xf32, #tpu.memory_space<hbm>>
    %dma_wait3A_683 = tpu.memref_squeeze %dma_wait3A_682 : memref<1x56x1024xf32, #tpu.memory_space<hbm>> -> memref<56x1024xf32, #tpu.memory_space<hbm>>
    %dma_wait3A_684 = arith.constant 0 : i32
    %dma_wait3A_685 = tpu.memref_slice %arg3[%select_n3A_401, %add3A_353, %dma_wait3A_684] : memref<4x8192x1024xf32, #tpu.memory_space<hbm>> -> memref<1x56x1024xf32, #tpu.memory_space<hbm>>
    %dma_wait3A_686 = tpu.memref_squeeze %dma_wait3A_685 : memref<1x56x1024xf32, #tpu.memory_space<hbm>> -> memref<56x1024xf32, #tpu.memory_space<hbm>>
    %dma_wait3A_687 = arith.constant 0 : i32
    %dma_wait3A_688 = arith.constant 0 : i32
    %dma_wait3A_689 = tpu.memref_slice %arg4[%dma_wait3A_687, %dma_wait3A_688] : memref<56x1024xf32, #tpu.memory_space<vmem>> -> memref<56x1024xf32, #tpu.memory_space<vmem>>
    tpu.wait_dma2 semaphore(%arg7 : memref<!tpu.dma_semaphore, #tpu.memory_space<semaphore_mem>>) src(%dma_wait3A_689 : memref<56x1024xf32, #tpu.memory_space<vmem>>) dst(%dma_wait3A_686 : memref<56x1024xf32, #tpu.memory_space<hbm>>)
    %dma_wait3A_690 = arith.constant 0 : i32
    %dma_wait3A_691 = arith.constant 0 : i32
    %dma_wait3A_692 = tpu.memref_slice %arg4[%dma_wait3A_690, %dma_wait3A_691] : memref<56x1024xf32, #tpu.memory_space<vmem>> -> memref<56x1024xf32, #tpu.memory_space<vmem>>
    %dma_wait3A_693 = arith.constant 0 : i32
    %dma_wait3A_694 = tpu.memref_slice %arg3[%select_n3A_431, %add3A_353, %dma_wait3A_693] : memref<4x8192x1024xf32, #tpu.memory_space<hbm>> -> memref<1x56x1024xf32, #tpu.memory_space<hbm>>
    %dma_wait3A_695 = tpu.memref_squeeze %dma_wait3A_694 : memref<1x56x1024xf32, #tpu.memory_space<hbm>> -> memref<56x1024xf32, #tpu.memory_space<hbm>>
    %dma_wait3A_696 = arith.constant 0 : i32
    %dma_wait3A_697 = tpu.memref_slice %arg3[%select_n3A_431, %add3A_353, %dma_wait3A_696] : memref<4x8192x1024xf32, #tpu.memory_space<hbm>> -> memref<1x56x1024xf32, #tpu.memory_space<hbm>>
    %dma_wait3A_698 = tpu.memref_squeeze %dma_wait3A_697 : memref<1x56x1024xf32, #tpu.memory_space<hbm>> -> memref<56x1024xf32, #tpu.memory_space<hbm>>
    %dma_wait3A_699 = arith.constant 0 : i32
    %dma_wait3A_700 = arith.constant 0 : i32
    %dma_wait3A_701 = tpu.memref_slice %arg4[%dma_wait3A_699, %dma_wait3A_700] : memref<56x1024xf32, #tpu.memory_space<vmem>> -> memref<56x1024xf32, #tpu.memory_space<vmem>>
    tpu.wait_dma2 semaphore(%arg7 : memref<!tpu.dma_semaphore, #tpu.memory_space<semaphore_mem>>) src(%dma_wait3A_701 : memref<56x1024xf32, #tpu.memory_space<vmem>>) dst(%dma_wait3A_698 : memref<56x1024xf32, #tpu.memory_space<hbm>>)
    %dma_wait3A_702 = arith.constant 0 : i32
    %dma_wait3A_703 = arith.constant 0 : i32
    %dma_wait3A_704 = tpu.memref_slice %arg4[%dma_wait3A_702, %dma_wait3A_703] : memref<56x1024xf32, #tpu.memory_space<vmem>> -> memref<56x1024xf32, #tpu.memory_space<vmem>>
    %dma_wait3A_705 = arith.constant 0 : i32
    %dma_wait3A_706 = tpu.memref_slice %arg3[%select_n3A_461, %add3A_353, %dma_wait3A_705] : memref<4x8192x1024xf32, #tpu.memory_space<hbm>> -> memref<1x56x1024xf32, #tpu.memory_space<hbm>>
    %dma_wait3A_707 = tpu.memref_squeeze %dma_wait3A_706 : memref<1x56x1024xf32, #tpu.memory_space<hbm>> -> memref<56x1024xf32, #tpu.memory_space<hbm>>
    %dma_wait3A_708 = arith.constant 0 : i32
    %dma_wait3A_709 = tpu.memref_slice %arg3[%select_n3A_461, %add3A_353, %dma_wait3A_708] : memref<4x8192x1024xf32, #tpu.memory_space<hbm>> -> memref<1x56x1024xf32, #tpu.memory_space<hbm>>
    %dma_wait3A_710 = tpu.memref_squeeze %dma_wait3A_709 : memref<1x56x1024xf32, #tpu.memory_space<hbm>> -> memref<56x1024xf32, #tpu.memory_space<hbm>>
    %dma_wait3A_711 = arith.constant 0 : i32
    %dma_wait3A_712 = arith.constant 0 : i32
    %dma_wait3A_713 = tpu.memref_slice %arg4[%dma_wait3A_711, %dma_wait3A_712] : memref<56x1024xf32, #tpu.memory_space<vmem>> -> memref<56x1024xf32, #tpu.memory_space<vmem>>
    tpu.wait_dma2 semaphore(%arg7 : memref<!tpu.dma_semaphore, #tpu.memory_space<semaphore_mem>>) src(%dma_wait3A_713 : memref<56x1024xf32, #tpu.memory_space<vmem>>) dst(%dma_wait3A_710 : memref<56x1024xf32, #tpu.memory_space<hbm>>)
    %add3A_714 = arith.constant 224 : i32
    %add3A_715 = arith.addi %mul3A_2, %add3A_714 : i32
    %dma_start3A_716 = arith.constant 0 : i32
    %dma_start3A_717 = arith.constant 0 : i32
    %dma_start3A_718 = tpu.memref_slice %arg4[%dma_start3A_716, %dma_start3A_717] : memref<56x1024xf32, #tpu.memory_space<vmem>> -> memref<32x1024xf32, #tpu.memory_space<vmem>>
    %dma_start3A_719 = arith.constant 0 : i32
    %dma_start3A_720 = tpu.memref_slice %arg2[%add3A_715, %dma_start3A_719] : memref<8192x1024xf32, #tpu.memory_space<hbm>> -> memref<32x1024xf32, #tpu.memory_space<hbm>>
    %dma_start3A_721 = arith.constant 0 : i32
    %dma_start3A_722 = arith.constant 0 : i32
    %dma_start3A_723 = tpu.memref_slice %arg4[%dma_start3A_721, %dma_start3A_722] : memref<56x1024xf32, #tpu.memory_space<vmem>> -> memref<32x1024xf32, #tpu.memory_space<vmem>>
    %dma_start3A_724 = arith.constant 0 : i32
    %dma_start3A_725 = tpu.memref_slice %arg2[%add3A_715, %dma_start3A_724] : memref<8192x1024xf32, #tpu.memory_space<hbm>> -> memref<32x1024xf32, #tpu.memory_space<hbm>>
    tpu.enqueue_dma source(%dma_start3A_725 : memref<32x1024xf32, #tpu.memory_space<hbm>>) target(%dma_start3A_723 : memref<32x1024xf32, #tpu.memory_space<vmem>>) target_semaphore(%arg6 : memref<!tpu.dma_semaphore, #tpu.memory_space<semaphore_mem>>)
    %dma_wait3A_726 = arith.constant 0 : i32
    %dma_wait3A_727 = arith.constant 0 : i32
    %dma_wait3A_728 = tpu.memref_slice %arg4[%dma_wait3A_726, %dma_wait3A_727] : memref<56x1024xf32, #tpu.memory_space<vmem>> -> memref<32x1024xf32, #tpu.memory_space<vmem>>
    %dma_wait3A_729 = arith.constant 0 : i32
    %dma_wait3A_730 = tpu.memref_slice %arg2[%add3A_715, %dma_wait3A_729] : memref<8192x1024xf32, #tpu.memory_space<hbm>> -> memref<32x1024xf32, #tpu.memory_space<hbm>>
    %dma_wait3A_731 = arith.constant 0 : i32
    %dma_wait3A_732 = arith.constant 0 : i32
    %dma_wait3A_733 = tpu.memref_slice %arg4[%dma_wait3A_731, %dma_wait3A_732] : memref<56x1024xf32, #tpu.memory_space<vmem>> -> memref<32x1024xf32, #tpu.memory_space<vmem>>
    %dma_wait3A_734 = arith.constant 0 : i32
    %dma_wait3A_735 = tpu.memref_slice %arg2[%add3A_715, %dma_wait3A_734] : memref<8192x1024xf32, #tpu.memory_space<hbm>> -> memref<32x1024xf32, #tpu.memory_space<hbm>>
    tpu.wait_dma2 semaphore(%arg6 : memref<!tpu.dma_semaphore, #tpu.memory_space<semaphore_mem>>) src(%dma_wait3A_735 : memref<32x1024xf32, #tpu.memory_space<hbm>>) dst(%dma_wait3A_733 : memref<32x1024xf32, #tpu.memory_space<vmem>>)
    %add3A_736 = arith.constant 224 : i32
    %add3A_737 = arith.addi %mul3A_2, %add3A_736 : i32
    %add3A_738 = arith.constant 0 : i32
    %add3A_739 = arith.addi %add3A, %add3A_738 : i32
    %jit3A_740 = arith.constant 4 : i32
    %eq3A_741 = arith.constant 0 : i32
    %eq3A_742 = arith.cmpi eq, %jit3A_740, %eq3A_741 : i32
    %jit3A_743 = arith.constant 1 : i32
    %select_n3A_744 = arith.select %eq3A_742, %jit3A_743, %jit3A_740 : i32
    %rem3A_745 = arith.remsi %add3A_739, %select_n3A_744 : i32
    %ne3A_746 = arith.constant 0 : i32
    %ne3A_747 = arith.cmpi ne, %rem3A_745, %ne3A_746 : i32
    %lt3A_748 = arith.constant 0 : i32
    %lt3A_749 = arith.cmpi slt, %rem3A_745, %lt3A_748 : i32
    %lt3A_750 = arith.constant 0 : i32
    %lt3A_751 = arith.cmpi slt, %select_n3A_744, %lt3A_750 : i32
    %ne3A_752 = arith.xori %lt3A_749, %lt3A_751 : i1
    %and3A_753 = arith.andi %ne3A_752, %ne3A_747 : i1
    %add3A_754 = arith.addi %rem3A_745, %select_n3A_744 : i32
    %select_n3A_755 = arith.select %and3A_753, %add3A_754, %rem3A_745 : i32
    %dma_start3A_756 = arith.constant 0 : i32
    %dma_start3A_757 = arith.constant 0 : i32
    %dma_start3A_758 = tpu.memref_slice %arg4[%dma_start3A_756, %dma_start3A_757] : memref<56x1024xf32, #tpu.memory_space<vmem>> -> memref<32x1024xf32, #tpu.memory_space<vmem>>
    %dma_start3A_759 = arith.constant 0 : i32
    %dma_start3A_760 = tpu.memref_slice %arg3[%select_n3A_755, %add3A_737, %dma_start3A_759] : memref<4x8192x1024xf32, #tpu.memory_space<hbm>> -> memref<1x32x1024xf32, #tpu.memory_space<hbm>>
    %dma_start3A_761 = tpu.memref_squeeze %dma_start3A_760 : memref<1x32x1024xf32, #tpu.memory_space<hbm>> -> memref<32x1024xf32, #tpu.memory_space<hbm>>
    %dma_start3A_762 = arith.constant 0 : i32
    %dma_start3A_763 = tpu.memref_slice %arg3[%select_n3A_755, %add3A_737, %dma_start3A_762] : memref<4x8192x1024xf32, #tpu.memory_space<hbm>> -> memref<1x32x1024xf32, #tpu.memory_space<hbm>>
    %dma_start3A_764 = tpu.memref_squeeze %dma_start3A_763 : memref<1x32x1024xf32, #tpu.memory_space<hbm>> -> memref<32x1024xf32, #tpu.memory_space<hbm>>
    %dma_start3A_765 = arith.constant 0 : i32
    %dma_start3A_766 = arith.constant 0 : i32
    %dma_start3A_767 = tpu.memref_slice %arg4[%dma_start3A_765, %dma_start3A_766] : memref<56x1024xf32, #tpu.memory_space<vmem>> -> memref<32x1024xf32, #tpu.memory_space<vmem>>
    tpu.enqueue_dma source(%dma_start3A_767 : memref<32x1024xf32, #tpu.memory_space<vmem>>) target(%dma_start3A_764 : memref<32x1024xf32, #tpu.memory_space<hbm>>) target_semaphore(%arg7 : memref<!tpu.dma_semaphore, #tpu.memory_space<semaphore_mem>>)
    %add3A_768 = arith.constant 1 : i32
    %add3A_769 = arith.addi %add3A, %add3A_768 : i32
    %jit3A_770 = arith.constant 4 : i32
    %eq3A_771 = arith.constant 0 : i32
    %eq3A_772 = arith.cmpi eq, %jit3A_770, %eq3A_771 : i32
    %jit3A_773 = arith.constant 1 : i32
    %select_n3A_774 = arith.select %eq3A_772, %jit3A_773, %jit3A_770 : i32
    %rem3A_775 = arith.remsi %add3A_769, %select_n3A_774 : i32
    %ne3A_776 = arith.constant 0 : i32
    %ne3A_777 = arith.cmpi ne, %rem3A_775, %ne3A_776 : i32
    %lt3A_778 = arith.constant 0 : i32
    %lt3A_779 = arith.cmpi slt, %rem3A_775, %lt3A_778 : i32
    %lt3A_780 = arith.constant 0 : i32
    %lt3A_781 = arith.cmpi slt, %select_n3A_774, %lt3A_780 : i32
    %ne3A_782 = arith.xori %lt3A_779, %lt3A_781 : i1
    %and3A_783 = arith.andi %ne3A_782, %ne3A_777 : i1
    %add3A_784 = arith.addi %rem3A_775, %select_n3A_774 : i32
    %select_n3A_785 = arith.select %and3A_783, %add3A_784, %rem3A_775 : i32
    %dma_start3A_786 = arith.constant 0 : i32
    %dma_start3A_787 = arith.constant 0 : i32
    %dma_start3A_788 = tpu.memref_slice %arg4[%dma_start3A_786, %dma_start3A_787] : memref<56x1024xf32, #tpu.memory_space<vmem>> -> memref<32x1024xf32, #tpu.memory_space<vmem>>
    %dma_start3A_789 = arith.constant 0 : i32
    %dma_start3A_790 = tpu.memref_slice %arg3[%select_n3A_785, %add3A_737, %dma_start3A_789] : memref<4x8192x1024xf32, #tpu.memory_space<hbm>> -> memref<1x32x1024xf32, #tpu.memory_space<hbm>>
    %dma_start3A_791 = tpu.memref_squeeze %dma_start3A_790 : memref<1x32x1024xf32, #tpu.memory_space<hbm>> -> memref<32x1024xf32, #tpu.memory_space<hbm>>
    %dma_start3A_792 = arith.constant 0 : i32
    %dma_start3A_793 = tpu.memref_slice %arg3[%select_n3A_785, %add3A_737, %dma_start3A_792] : memref<4x8192x1024xf32, #tpu.memory_space<hbm>> -> memref<1x32x1024xf32, #tpu.memory_space<hbm>>
    %dma_start3A_794 = tpu.memref_squeeze %dma_start3A_793 : memref<1x32x1024xf32, #tpu.memory_space<hbm>> -> memref<32x1024xf32, #tpu.memory_space<hbm>>
    %dma_start3A_795 = arith.constant 0 : i32
    %dma_start3A_796 = arith.constant 0 : i32
    %dma_start3A_797 = tpu.memref_slice %arg4[%dma_start3A_795, %dma_start3A_796] : memref<56x1024xf32, #tpu.memory_space<vmem>> -> memref<32x1024xf32, #tpu.memory_space<vmem>>
    tpu.enqueue_dma source(%dma_start3A_797 : memref<32x1024xf32, #tpu.memory_space<vmem>>) target(%dma_start3A_794 : memref<32x1024xf32, #tpu.memory_space<hbm>>) target_semaphore(%arg7 : memref<!tpu.dma_semaphore, #tpu.memory_space<semaphore_mem>>)
    %add3A_798 = arith.constant 2 : i32
    %add3A_799 = arith.addi %add3A, %add3A_798 : i32
    %jit3A_800 = arith.constant 4 : i32
    %eq3A_801 = arith.constant 0 : i32
    %eq3A_802 = arith.cmpi eq, %jit3A_800, %eq3A_801 : i32
    %jit3A_803 = arith.constant 1 : i32
    %select_n3A_804 = arith.select %eq3A_802, %jit3A_803, %jit3A_800 : i32
    %rem3A_805 = arith.remsi %add3A_799, %select_n3A_804 : i32
    %ne3A_806 = arith.constant 0 : i32
    %ne3A_807 = arith.cmpi ne, %rem3A_805, %ne3A_806 : i32
    %lt3A_808 = arith.constant 0 : i32
    %lt3A_809 = arith.cmpi slt, %rem3A_805, %lt3A_808 : i32
    %lt3A_810 = arith.constant 0 : i32
    %lt3A_811 = arith.cmpi slt, %select_n3A_804, %lt3A_810 : i32
    %ne3A_812 = arith.xori %lt3A_809, %lt3A_811 : i1
    %and3A_813 = arith.andi %ne3A_812, %ne3A_807 : i1
    %add3A_814 = arith.addi %rem3A_805, %select_n3A_804 : i32
    %select_n3A_815 = arith.select %and3A_813, %add3A_814, %rem3A_805 : i32
    %dma_start3A_816 = arith.constant 0 : i32
    %dma_start3A_817 = arith.constant 0 : i32
    %dma_start3A_818 = tpu.memref_slice %arg4[%dma_start3A_816, %dma_start3A_817] : memref<56x1024xf32, #tpu.memory_space<vmem>> -> memref<32x1024xf32, #tpu.memory_space<vmem>>
    %dma_start3A_819 = arith.constant 0 : i32
    %dma_start3A_820 = tpu.memref_slice %arg3[%select_n3A_815, %add3A_737, %dma_start3A_819] : memref<4x8192x1024xf32, #tpu.memory_space<hbm>> -> memref<1x32x1024xf32, #tpu.memory_space<hbm>>
    %dma_start3A_821 = tpu.memref_squeeze %dma_start3A_820 : memref<1x32x1024xf32, #tpu.memory_space<hbm>> -> memref<32x1024xf32, #tpu.memory_space<hbm>>
    %dma_start3A_822 = arith.constant 0 : i32
    %dma_start3A_823 = tpu.memref_slice %arg3[%select_n3A_815, %add3A_737, %dma_start3A_822] : memref<4x8192x1024xf32, #tpu.memory_space<hbm>> -> memref<1x32x1024xf32, #tpu.memory_space<hbm>>
    %dma_start3A_824 = tpu.memref_squeeze %dma_start3A_823 : memref<1x32x1024xf32, #tpu.memory_space<hbm>> -> memref<32x1024xf32, #tpu.memory_space<hbm>>
    %dma_start3A_825 = arith.constant 0 : i32
    %dma_start3A_826 = arith.constant 0 : i32
    %dma_start3A_827 = tpu.memref_slice %arg4[%dma_start3A_825, %dma_start3A_826] : memref<56x1024xf32, #tpu.memory_space<vmem>> -> memref<32x1024xf32, #tpu.memory_space<vmem>>
    tpu.enqueue_dma source(%dma_start3A_827 : memref<32x1024xf32, #tpu.memory_space<vmem>>) target(%dma_start3A_824 : memref<32x1024xf32, #tpu.memory_space<hbm>>) target_semaphore(%arg7 : memref<!tpu.dma_semaphore, #tpu.memory_space<semaphore_mem>>)
    %add3A_828 = arith.constant 3 : i32
    %add3A_829 = arith.addi %add3A, %add3A_828 : i32
    %jit3A_830 = arith.constant 4 : i32
    %eq3A_831 = arith.constant 0 : i32
    %eq3A_832 = arith.cmpi eq, %jit3A_830, %eq3A_831 : i32
    %jit3A_833 = arith.constant 1 : i32
    %select_n3A_834 = arith.select %eq3A_832, %jit3A_833, %jit3A_830 : i32
    %rem3A_835 = arith.remsi %add3A_829, %select_n3A_834 : i32
    %ne3A_836 = arith.constant 0 : i32
    %ne3A_837 = arith.cmpi ne, %rem3A_835, %ne3A_836 : i32
    %lt3A_838 = arith.constant 0 : i32
    %lt3A_839 = arith.cmpi slt, %rem3A_835, %lt3A_838 : i32
    %lt3A_840 = arith.constant 0 : i32
    %lt3A_841 = arith.cmpi slt, %select_n3A_834, %lt3A_840 : i32
    %ne3A_842 = arith.xori %lt3A_839, %lt3A_841 : i1
    %and3A_843 = arith.andi %ne3A_842, %ne3A_837 : i1
    %add3A_844 = arith.addi %rem3A_835, %select_n3A_834 : i32
    %select_n3A_845 = arith.select %and3A_843, %add3A_844, %rem3A_835 : i32
    %dma_start3A_846 = arith.constant 0 : i32
    %dma_start3A_847 = arith.constant 0 : i32
    %dma_start3A_848 = tpu.memref_slice %arg4[%dma_start3A_846, %dma_start3A_847] : memref<56x1024xf32, #tpu.memory_space<vmem>> -> memref<32x1024xf32, #tpu.memory_space<vmem>>
    %dma_start3A_849 = arith.constant 0 : i32
    %dma_start3A_850 = tpu.memref_slice %arg3[%select_n3A_845, %add3A_737, %dma_start3A_849] : memref<4x8192x1024xf32, #tpu.memory_space<hbm>> -> memref<1x32x1024xf32, #tpu.memory_space<hbm>>
    %dma_start3A_851 = tpu.memref_squeeze %dma_start3A_850 : memref<1x32x1024xf32, #tpu.memory_space<hbm>> -> memref<32x1024xf32, #tpu.memory_space<hbm>>
    %dma_start3A_852 = arith.constant 0 : i32
    %dma_start3A_853 = tpu.memref_slice %arg3[%select_n3A_845, %add3A_737, %dma_start3A_852] : memref<4x8192x1024xf32, #tpu.memory_space<hbm>> -> memref<1x32x1024xf32, #tpu.memory_space<hbm>>
    %dma_start3A_854 = tpu.memref_squeeze %dma_start3A_853 : memref<1x32x1024xf32, #tpu.memory_space<hbm>> -> memref<32x1024xf32, #tpu.memory_space<hbm>>
    %dma_start3A_855 = arith.constant 0 : i32
    %dma_start3A_856 = arith.constant 0 : i32
    %dma_start3A_857 = tpu.memref_slice %arg4[%dma_start3A_855, %dma_start3A_856] : memref<56x1024xf32, #tpu.memory_space<vmem>> -> memref<32x1024xf32, #tpu.memory_space<vmem>>
    tpu.enqueue_dma source(%dma_start3A_857 : memref<32x1024xf32, #tpu.memory_space<vmem>>) target(%dma_start3A_854 : memref<32x1024xf32, #tpu.memory_space<hbm>>) target_semaphore(%arg7 : memref<!tpu.dma_semaphore, #tpu.memory_space<semaphore_mem>>)
    %dma_wait3A_858 = arith.constant 0 : i32
    %dma_wait3A_859 = arith.constant 0 : i32
    %dma_wait3A_860 = tpu.memref_slice %arg5[%dma_wait3A_858, %dma_wait3A_859] : memref<56x1024xf32, #tpu.memory_space<vmem>> -> memref<56x1024xf32, #tpu.memory_space<vmem>>
    %dma_wait3A_861 = arith.constant 0 : i32
    %dma_wait3A_862 = tpu.memref_slice %arg3[%select_n3A_563, %add3A_545, %dma_wait3A_861] : memref<4x8192x1024xf32, #tpu.memory_space<hbm>> -> memref<1x56x1024xf32, #tpu.memory_space<hbm>>
    %dma_wait3A_863 = tpu.memref_squeeze %dma_wait3A_862 : memref<1x56x1024xf32, #tpu.memory_space<hbm>> -> memref<56x1024xf32, #tpu.memory_space<hbm>>
    %dma_wait3A_864 = arith.constant 0 : i32
    %dma_wait3A_865 = tpu.memref_slice %arg3[%select_n3A_563, %add3A_545, %dma_wait3A_864] : memref<4x8192x1024xf32, #tpu.memory_space<hbm>> -> memref<1x56x1024xf32, #tpu.memory_space<hbm>>
    %dma_wait3A_866 = tpu.memref_squeeze %dma_wait3A_865 : memref<1x56x1024xf32, #tpu.memory_space<hbm>> -> memref<56x1024xf32, #tpu.memory_space<hbm>>
    %dma_wait3A_867 = arith.constant 0 : i32
    %dma_wait3A_868 = arith.constant 0 : i32
    %dma_wait3A_869 = tpu.memref_slice %arg5[%dma_wait3A_867, %dma_wait3A_868] : memref<56x1024xf32, #tpu.memory_space<vmem>> -> memref<56x1024xf32, #tpu.memory_space<vmem>>
    tpu.wait_dma2 semaphore(%arg8 : memref<!tpu.dma_semaphore, #tpu.memory_space<semaphore_mem>>) src(%dma_wait3A_869 : memref<56x1024xf32, #tpu.memory_space<vmem>>) dst(%dma_wait3A_866 : memref<56x1024xf32, #tpu.memory_space<hbm>>)
    %dma_wait3A_870 = arith.constant 0 : i32
    %dma_wait3A_871 = arith.constant 0 : i32
    %dma_wait3A_872 = tpu.memref_slice %arg5[%dma_wait3A_870, %dma_wait3A_871] : memref<56x1024xf32, #tpu.memory_space<vmem>> -> memref<56x1024xf32, #tpu.memory_space<vmem>>
    %dma_wait3A_873 = arith.constant 0 : i32
    %dma_wait3A_874 = tpu.memref_slice %arg3[%select_n3A_593, %add3A_545, %dma_wait3A_873] : memref<4x8192x1024xf32, #tpu.memory_space<hbm>> -> memref<1x56x1024xf32, #tpu.memory_space<hbm>>
    %dma_wait3A_875 = tpu.memref_squeeze %dma_wait3A_874 : memref<1x56x1024xf32, #tpu.memory_space<hbm>> -> memref<56x1024xf32, #tpu.memory_space<hbm>>
    %dma_wait3A_876 = arith.constant 0 : i32
    %dma_wait3A_877 = tpu.memref_slice %arg3[%select_n3A_593, %add3A_545, %dma_wait3A_876] : memref<4x8192x1024xf32, #tpu.memory_space<hbm>> -> memref<1x56x1024xf32, #tpu.memory_space<hbm>>
    %dma_wait3A_878 = tpu.memref_squeeze %dma_wait3A_877 : memref<1x56x1024xf32, #tpu.memory_space<hbm>> -> memref<56x1024xf32, #tpu.memory_space<hbm>>
    %dma_wait3A_879 = arith.constant 0 : i32
    %dma_wait3A_880 = arith.constant 0 : i32
    %dma_wait3A_881 = tpu.memref_slice %arg5[%dma_wait3A_879, %dma_wait3A_880] : memref<56x1024xf32, #tpu.memory_space<vmem>> -> memref<56x1024xf32, #tpu.memory_space<vmem>>
    tpu.wait_dma2 semaphore(%arg8 : memref<!tpu.dma_semaphore, #tpu.memory_space<semaphore_mem>>) src(%dma_wait3A_881 : memref<56x1024xf32, #tpu.memory_space<vmem>>) dst(%dma_wait3A_878 : memref<56x1024xf32, #tpu.memory_space<hbm>>)
    %dma_wait3A_882 = arith.constant 0 : i32
    %dma_wait3A_883 = arith.constant 0 : i32
    %dma_wait3A_884 = tpu.memref_slice %arg5[%dma_wait3A_882, %dma_wait3A_883] : memref<56x1024xf32, #tpu.memory_space<vmem>> -> memref<56x1024xf32, #tpu.memory_space<vmem>>
    %dma_wait3A_885 = arith.constant 0 : i32
    %dma_wait3A_886 = tpu.memref_slice %arg3[%select_n3A_623, %add3A_545, %dma_wait3A_885] : memref<4x8192x1024xf32, #tpu.memory_space<hbm>> -> memref<1x56x1024xf32, #tpu.memory_space<hbm>>
    %dma_wait3A_887 = tpu.memref_squeeze %dma_wait3A_886 : memref<1x56x1024xf32, #tpu.memory_space<hbm>> -> memref<56x1024xf32, #tpu.memory_space<hbm>>
    %dma_wait3A_888 = arith.constant 0 : i32
    %dma_wait3A_889 = tpu.memref_slice %arg3[%select_n3A_623, %add3A_545, %dma_wait3A_888] : memref<4x8192x1024xf32, #tpu.memory_space<hbm>> -> memref<1x56x1024xf32, #tpu.memory_space<hbm>>
    %dma_wait3A_890 = tpu.memref_squeeze %dma_wait3A_889 : memref<1x56x1024xf32, #tpu.memory_space<hbm>> -> memref<56x1024xf32, #tpu.memory_space<hbm>>
    %dma_wait3A_891 = arith.constant 0 : i32
    %dma_wait3A_892 = arith.constant 0 : i32
    %dma_wait3A_893 = tpu.memref_slice %arg5[%dma_wait3A_891, %dma_wait3A_892] : memref<56x1024xf32, #tpu.memory_space<vmem>> -> memref<56x1024xf32, #tpu.memory_space<vmem>>
    tpu.wait_dma2 semaphore(%arg8 : memref<!tpu.dma_semaphore, #tpu.memory_space<semaphore_mem>>) src(%dma_wait3A_893 : memref<56x1024xf32, #tpu.memory_space<vmem>>) dst(%dma_wait3A_890 : memref<56x1024xf32, #tpu.memory_space<hbm>>)
    %dma_wait3A_894 = arith.constant 0 : i32
    %dma_wait3A_895 = arith.constant 0 : i32
    %dma_wait3A_896 = tpu.memref_slice %arg5[%dma_wait3A_894, %dma_wait3A_895] : memref<56x1024xf32, #tpu.memory_space<vmem>> -> memref<56x1024xf32, #tpu.memory_space<vmem>>
    %dma_wait3A_897 = arith.constant 0 : i32
    %dma_wait3A_898 = tpu.memref_slice %arg3[%select_n3A_653, %add3A_545, %dma_wait3A_897] : memref<4x8192x1024xf32, #tpu.memory_space<hbm>> -> memref<1x56x1024xf32, #tpu.memory_space<hbm>>
    %dma_wait3A_899 = tpu.memref_squeeze %dma_wait3A_898 : memref<1x56x1024xf32, #tpu.memory_space<hbm>> -> memref<56x1024xf32, #tpu.memory_space<hbm>>
    %dma_wait3A_900 = arith.constant 0 : i32
    %dma_wait3A_901 = tpu.memref_slice %arg3[%select_n3A_653, %add3A_545, %dma_wait3A_900] : memref<4x8192x1024xf32, #tpu.memory_space<hbm>> -> memref<1x56x1024xf32, #tpu.memory_space<hbm>>
    %dma_wait3A_902 = tpu.memref_squeeze %dma_wait3A_901 : memref<1x56x1024xf32, #tpu.memory_space<hbm>> -> memref<56x1024xf32, #tpu.memory_space<hbm>>
    %dma_wait3A_903 = arith.constant 0 : i32
    %dma_wait3A_904 = arith.constant 0 : i32
    %dma_wait3A_905 = tpu.memref_slice %arg5[%dma_wait3A_903, %dma_wait3A_904] : memref<56x1024xf32, #tpu.memory_space<vmem>> -> memref<56x1024xf32, #tpu.memory_space<vmem>>
    tpu.wait_dma2 semaphore(%arg8 : memref<!tpu.dma_semaphore, #tpu.memory_space<semaphore_mem>>) src(%dma_wait3A_905 : memref<56x1024xf32, #tpu.memory_space<vmem>>) dst(%dma_wait3A_902 : memref<56x1024xf32, #tpu.memory_space<hbm>>)
    %dma_wait3A_906 = arith.constant 0 : i32
    %dma_wait3A_907 = arith.constant 0 : i32
    %dma_wait3A_908 = tpu.memref_slice %arg4[%dma_wait3A_906, %dma_wait3A_907] : memref<56x1024xf32, #tpu.memory_space<vmem>> -> memref<32x1024xf32, #tpu.memory_space<vmem>>
    %dma_wait3A_909 = arith.constant 0 : i32
    %dma_wait3A_910 = tpu.memref_slice %arg3[%select_n3A_755, %add3A_737, %dma_wait3A_909] : memref<4x8192x1024xf32, #tpu.memory_space<hbm>> -> memref<1x32x1024xf32, #tpu.memory_space<hbm>>
    %dma_wait3A_911 = tpu.memref_squeeze %dma_wait3A_910 : memref<1x32x1024xf32, #tpu.memory_space<hbm>> -> memref<32x1024xf32, #tpu.memory_space<hbm>>
    %dma_wait3A_912 = arith.constant 0 : i32
    %dma_wait3A_913 = tpu.memref_slice %arg3[%select_n3A_755, %add3A_737, %dma_wait3A_912] : memref<4x8192x1024xf32, #tpu.memory_space<hbm>> -> memref<1x32x1024xf32, #tpu.memory_space<hbm>>
    %dma_wait3A_914 = tpu.memref_squeeze %dma_wait3A_913 : memref<1x32x1024xf32, #tpu.memory_space<hbm>> -> memref<32x1024xf32, #tpu.memory_space<hbm>>
    %dma_wait3A_915 = arith.constant 0 : i32
    %dma_wait3A_916 = arith.constant 0 : i32
    %dma_wait3A_917 = tpu.memref_slice %arg4[%dma_wait3A_915, %dma_wait3A_916] : memref<56x1024xf32, #tpu.memory_space<vmem>> -> memref<32x1024xf32, #tpu.memory_space<vmem>>
    tpu.wait_dma2 semaphore(%arg7 : memref<!tpu.dma_semaphore, #tpu.memory_space<semaphore_mem>>) src(%dma_wait3A_917 : memref<32x1024xf32, #tpu.memory_space<vmem>>) dst(%dma_wait3A_914 : memref<32x1024xf32, #tpu.memory_space<hbm>>)
    %dma_wait3A_918 = arith.constant 0 : i32
    %dma_wait3A_919 = arith.constant 0 : i32
    %dma_wait3A_920 = tpu.memref_slice %arg4[%dma_wait3A_918, %dma_wait3A_919] : memref<56x1024xf32, #tpu.memory_space<vmem>> -> memref<32x1024xf32, #tpu.memory_space<vmem>>
    %dma_wait3A_921 = arith.constant 0 : i32
    %dma_wait3A_922 = tpu.memref_slice %arg3[%select_n3A_785, %add3A_737, %dma_wait3A_921] : memref<4x8192x1024xf32, #tpu.memory_space<hbm>> -> memref<1x32x1024xf32, #tpu.memory_space<hbm>>
    %dma_wait3A_923 = tpu.memref_squeeze %dma_wait3A_922 : memref<1x32x1024xf32, #tpu.memory_space<hbm>> -> memref<32x1024xf32, #tpu.memory_space<hbm>>
    %dma_wait3A_924 = arith.constant 0 : i32
    %dma_wait3A_925 = tpu.memref_slice %arg3[%select_n3A_785, %add3A_737, %dma_wait3A_924] : memref<4x8192x1024xf32, #tpu.memory_space<hbm>> -> memref<1x32x1024xf32, #tpu.memory_space<hbm>>
    %dma_wait3A_926 = tpu.memref_squeeze %dma_wait3A_925 : memref<1x32x1024xf32, #tpu.memory_space<hbm>> -> memref<32x1024xf32, #tpu.memory_space<hbm>>
    %dma_wait3A_927 = arith.constant 0 : i32
    %dma_wait3A_928 = arith.constant 0 : i32
    %dma_wait3A_929 = tpu.memref_slice %arg4[%dma_wait3A_927, %dma_wait3A_928] : memref<56x1024xf32, #tpu.memory_space<vmem>> -> memref<32x1024xf32, #tpu.memory_space<vmem>>
    tpu.wait_dma2 semaphore(%arg7 : memref<!tpu.dma_semaphore, #tpu.memory_space<semaphore_mem>>) src(%dma_wait3A_929 : memref<32x1024xf32, #tpu.memory_space<vmem>>) dst(%dma_wait3A_926 : memref<32x1024xf32, #tpu.memory_space<hbm>>)
    %dma_wait3A_930 = arith.constant 0 : i32
    %dma_wait3A_931 = arith.constant 0 : i32
    %dma_wait3A_932 = tpu.memref_slice %arg4[%dma_wait3A_930, %dma_wait3A_931] : memref<56x1024xf32, #tpu.memory_space<vmem>> -> memref<32x1024xf32, #tpu.memory_space<vmem>>
    %dma_wait3A_933 = arith.constant 0 : i32
    %dma_wait3A_934 = tpu.memref_slice %arg3[%select_n3A_815, %add3A_737, %dma_wait3A_933] : memref<4x8192x1024xf32, #tpu.memory_space<hbm>> -> memref<1x32x1024xf32, #tpu.memory_space<hbm>>
    %dma_wait3A_935 = tpu.memref_squeeze %dma_wait3A_934 : memref<1x32x1024xf32, #tpu.memory_space<hbm>> -> memref<32x1024xf32, #tpu.memory_space<hbm>>
    %dma_wait3A_936 = arith.constant 0 : i32
    %dma_wait3A_937 = tpu.memref_slice %arg3[%select_n3A_815, %add3A_737, %dma_wait3A_936] : memref<4x8192x1024xf32, #tpu.memory_space<hbm>> -> memref<1x32x1024xf32, #tpu.memory_space<hbm>>
    %dma_wait3A_938 = tpu.memref_squeeze %dma_wait3A_937 : memref<1x32x1024xf32, #tpu.memory_space<hbm>> -> memref<32x1024xf32, #tpu.memory_space<hbm>>
    %dma_wait3A_939 = arith.constant 0 : i32
    %dma_wait3A_940 = arith.constant 0 : i32
    %dma_wait3A_941 = tpu.memref_slice %arg4[%dma_wait3A_939, %dma_wait3A_940] : memref<56x1024xf32, #tpu.memory_space<vmem>> -> memref<32x1024xf32, #tpu.memory_space<vmem>>
    tpu.wait_dma2 semaphore(%arg7 : memref<!tpu.dma_semaphore, #tpu.memory_space<semaphore_mem>>) src(%dma_wait3A_941 : memref<32x1024xf32, #tpu.memory_space<vmem>>) dst(%dma_wait3A_938 : memref<32x1024xf32, #tpu.memory_space<hbm>>)
    %dma_wait3A_942 = arith.constant 0 : i32
    %dma_wait3A_943 = arith.constant 0 : i32
    %dma_wait3A_944 = tpu.memref_slice %arg4[%dma_wait3A_942, %dma_wait3A_943] : memref<56x1024xf32, #tpu.memory_space<vmem>> -> memref<32x1024xf32, #tpu.memory_space<vmem>>
    %dma_wait3A_945 = arith.constant 0 : i32
    %dma_wait3A_946 = tpu.memref_slice %arg3[%select_n3A_845, %add3A_737, %dma_wait3A_945] : memref<4x8192x1024xf32, #tpu.memory_space<hbm>> -> memref<1x32x1024xf32, #tpu.memory_space<hbm>>
    %dma_wait3A_947 = tpu.memref_squeeze %dma_wait3A_946 : memref<1x32x1024xf32, #tpu.memory_space<hbm>> -> memref<32x1024xf32, #tpu.memory_space<hbm>>
    %dma_wait3A_948 = arith.constant 0 : i32
    %dma_wait3A_949 = tpu.memref_slice %arg3[%select_n3A_845, %add3A_737, %dma_wait3A_948] : memref<4x8192x1024xf32, #tpu.memory_space<hbm>> -> memref<1x32x1024xf32, #tpu.memory_space<hbm>>
    %dma_wait3A_950 = tpu.memref_squeeze %dma_wait3A_949 : memref<1x32x1024xf32, #tpu.memory_space<hbm>> -> memref<32x1024xf32, #tpu.memory_space<hbm>>
    %dma_wait3A_951 = arith.constant 0 : i32
    %dma_wait3A_952 = arith.constant 0 : i32
    %dma_wait3A_953 = tpu.memref_slice %arg4[%dma_wait3A_951, %dma_wait3A_952] : memref<56x1024xf32, #tpu.memory_space<vmem>> -> memref<32x1024xf32, #tpu.memory_space<vmem>>
    tpu.wait_dma2 semaphore(%arg7 : memref<!tpu.dma_semaphore, #tpu.memory_space<semaphore_mem>>) src(%dma_wait3A_953 : memref<32x1024xf32, #tpu.memory_space<vmem>>) dst(%dma_wait3A_950 : memref<32x1024xf32, #tpu.memory_space<hbm>>)
    return
  }
}

</mosaic_0001>

<sc_bundles>
// kernel: kernel.3.cloned.1.call-start
scs
__scs_entry_jumppad:
0x0: {  	(pc) =	sbr.rel $0x88, $3  }
0x1: {  	(tag) =	ssettag $0x0;
	lr =	simm.s32 $0x1  }
0x2: {  	[smem:$0x3FA0] =	sst lr;
	_ =	strace $0xD0000000  }
0x3: {  	_ = 	snop  }
0x4: {  	_ = 	snop  }
0x5: {  	_ = 	snop  }
0x6: {  	_ = 	snop  }
0x7: {  	_ = 	snop  }
__scs_overlays_trampoline_lowered:
0x8: {  	[smem:$0x3FAF] =	sst s0  }
0x9: {  	[smem:$0x3FB0] =	sst s1  }
0xa: {  	[smem:$0x3FB1] =	sst s2  }
0xb: {  	[smem:$0x3FB2] =	sst s3  }
0xc: {  	[smem:$0x3FB3] =	sst s4  }
0xd: {  	[smem:$0x3FB4] =	sst s5  }
0xe: {  	[smem:$0x3FB5] =	sst s6  }
0xf: {  	[smem:$0x3FB6] =	sst s7  }
0x10: {  	[smem:$0x3FB7] =	sst s8  }
0x11: {  	[smem:$0x3FB8] =	sst s9;
	s0 =	simm.s32 @!p0 $0x0  }
0x12: {  	s1 =	sld [smem:$0x3F9E];
	s0 =	simm.s32 @p0 $0x1  }
0x13: {  	[smem:$0x3FB9] =	sst s0;
	s0 =	simm.s32 @!p1 $0x0  }
0x14: {  	s2 =	sld [smem:$0x3F9D];
	s0 =	simm.s32 @p1 $0x1  }
0x15: {  	[smem:$0x3FBA] =	sst s0;
	s0 =	simm.s32 @!p2 $0x0  }
0x16: {  	s3 =	sld [smem:$0x3FDB];
	s0 =	simm.s32 @p2 $0x1  }
0x17: {  	s4 =	simm.s32 $0x1BF5;
	[smem:$0x3FBC] =	sst s0  }
0x18: {  	s0 =	sld [smem:$0x3F9F];
	_ =	swait.ge [sflag:s4], $0x0  }
0x19: {  	s7 =	sld [smem:$0x3FA0]  }
0x1a: {  	s8 =	sadd.s32 $0xFFFFE003, lr  }
0x1b: {  	s9 =	sadd.s32 $0xFFFFFEF7, lr;
	s5 =	simm.s32 $0xFFFFFFFF;
	p2 =	slt.u32 s8, $0xFFFFF086  }
0x1c: {  	p1 =	slt.u32 s9, $0xF7A;
	s5 =	simm.s32 @!p2 $0x0  }
0x1d: {  	s5 =	simm.s32 @p1 $0x1;
	p0 =	seq.s32 s7, s2  }
0x1e: {  	s7 =	smul.u32 @!p0 $0xF7A, s2;
	p2 =	seq.s32 @!p0 s5, $0x0  }
0x1f: {  	s9 =	smul.u32 $0xF7A, s1;
	s8 =	simm.s32 @!p0 $0x1BF5;
	p2 =	por !p2, p0  }
0x20: {  	[sflag:s8] =	ssyncset.s32 @!p0 $0xFFFFF086;
	s6 =	sadd.s32 @!p0 s3, s7;
	s7 =	simm.s32 @!p0 $0x108  }
0x21: {  	s3 =	sadd.s32 s3, s9;
	s6 =	sadd.s32 @!p0 $0x88, s6;
	s7 =	simm.s32 @p2 $0x1082  }
0x22: {  	[simem:s7], [sflag:s8] =	dma.local @!p0 [hbm:s6], $0xF7A  }
0x23: {  	s9 =	sor.u32 $0xD0000000, s2;
	s6 =	simm.s32 $0x108;
	_ =	swait.ge @!p0 [sflag:s8], $0x0  }
0x24: {  	s3 =	sadd.s32 $0x88, s3;
	s6 =	simm.s32 @!p1 $0x1082;
	[sflag:s4] =	ssyncset.s32 $0xFFFFF086  }
0x25: {  	[simem:s6], [sflag:s4] =	dma.local [hbm:s3], $0xF7A  }
0x26: {  	[smem:$0x3FA0] =	sst s1;
	(tag) =	ssettag s2;
	_ =	strace s9  }
0x27: {  	s1 =	sld [smem:$0x3FB0]  }
0x28: {  	s2 =	sld [smem:$0x3FB1]  }
0x29: {  	s4 =	sld [smem:$0x3FB3]  }
0x2a: {  	p0 =	seq.s32 s5, $0x0;
	s5 =	sld [smem:$0x3FB4]  }
0x2b: {  	s6 =	sld [smem:$0x3FB5]  }
0x2c: {  	s7 =	sld [smem:$0x3FB6]  }
0x2d: {  	s3 =	simm.s32 $0x108;
	s8 =	sld [smem:$0x3FB7]  }
0x2e: {  	s3 =	simm.s32 @!p0 $0x1082;
	s9 =	sld [smem:$0x3FB8]  }
0x2f: {  	lr =	sadd.s32 s0, s3;
	s0 =	sld [smem:$0x3FAF]  }
0x30: {  	s3 =	sld [smem:$0x3FB2]  }
0x31: {  	[smem:$0x3FBB] =	sst s10  }
0x32: {  	s10 =	sld [smem:$0x3FB9];
	_ =	sdelay $0x3  }
0x33: {  	p0 =	seq.s32 s10, $0x1;
	s10 =	sld [smem:$0x3FBB];
	_ =	sdelay $0x3  }
0x34: {  	[smem:$0x3FBB] =	sst s10  }
0x35: {  	s10 =	sld [smem:$0x3FBA];
	_ =	sdelay $0x3  }
0x36: {  	p1 =	seq.s32 s10, $0x1;
	s10 =	sld [smem:$0x3FBB];
	_ =	sdelay $0x3  }
0x37: {  	[smem:$0x3FBB] =	sst s10  }
0x38: {  	s10 =	sld [smem:$0x3FBC]  }
0x39: {  	_ = 	snop;
	(pc) =	sbr.ind lr, $3  }
0x3a: {  	_ = 	snop  }
0x3b: {  	_ = 	snop  }
0x3c: {  	p2 =	seq.s32 s10, $0x1;
	s10 =	sld [smem:$0x3FBB]  }
0x3d: {  	_ =	shalt  }
0x3e: {  	_ =	shalt  }
0x3f: {  	_ =	shalt  }
0x40: {  	_ =	shalt  }
0x41: {  	_ =	shalt  }
0x42: {  	_ =	shalt  }
0x43: {  	_ =	shalt  }
0x44: {  	_ =	shalt  }
0x45: {  	_ =	shalt  }
0x46: {  	_ =	shalt  }
0x47: {  	_ =	shalt  }
0x48: {  	_ =	shalt  }
0x49: {  	_ =	shalt  }
0x4a: {  	_ =	shalt  }
0x4b: {  	_ =	shalt  }
0x4c: {  	_ =	shalt  }
0x4d: {  	_ =	shalt  }
0x4e: {  	_ =	shalt  }
0x4f: {  	_ =	shalt  }
0x50: {  	_ =	shalt  }
0x51: {  	_ =	shalt  }
0x52: {  	_ =	shalt  }
0x53: {  	_ =	shalt  }
0x54: {  	_ =	shalt  }
0x55: {  	_ =	shalt  }
0x56: {  	_ =	shalt  }
0x57: {  	_ =	shalt  }
0x58: {  	_ =	shalt  }
0x59: {  	_ =	shalt  }
0x5a: {  	_ =	shalt  }
0x5b: {  	_ =	shalt  }
0x5c: {  	_ =	shalt  }
0x5d: {  	_ =	shalt  }
0x5e: {  	_ =	shalt  }
0x5f: {  	_ =	shalt  }
0x60: {  	_ =	shalt  }
0x61: {  	_ =	shalt  }
0x62: {  	_ =	shalt  }
0x63: {  	_ =	shalt  }
0x64: {  	_ =	shalt  }
0x65: {  	_ =	shalt  }
0x66: {  	_ =	shalt  }
0x67: {  	_ =	shalt  }
0x68: {  	_ =	shalt  }
0x69: {  	_ =	shalt  }
0x6a: {  	_ =	shalt  }
0x6b: {  	_ =	shalt  }
0x6c: {  	_ =	shalt  }
0x6d: {  	_ =	shalt  }
0x6e: {  	_ =	shalt  }
0x6f: {  	_ =	shalt  }
0x70: {  	_ =	shalt  }
0x71: {  	_ =	shalt  }
0x72: {  	_ =	shalt  }
0x73: {  	_ =	shalt  }
0x74: {  	_ =	shalt  }
0x75: {  	_ =	shalt  }
0x76: {  	_ =	shalt  }
0x77: {  	_ =	shalt  }
0x78: {  	_ =	shalt  }
0x79: {  	_ =	shalt  }
0x7a: {  	_ =	shalt  }
0x7b: {  	_ =	shalt  }
0x7c: {  	_ =	shalt  }
0x7d: {  	_ =	shalt  }
0x7e: {  	_ =	shalt  }
0x7f: {  	_ =	shalt  }
0x80: {  	_ =	shalt  }
0x81: {  	_ =	shalt  }
0x82: {  	_ =	shalt  }
0x83: {  	_ =	shalt  }
0x84: {  	_ =	shalt  }
0x85: {  	_ =	shalt  }
0x86: {  	_ =	shalt  }
0x87: {  	_ =	shalt  }
.Lfunc_end0:
.L_simem_size_0:
called_computation_lowered:
.L_overlay_start_0:
0x88: {  	s2 =	sld [smem:$0x3FD9]  }
0x89: {  	s3 =	sld [smem:$0x3FFE];
	_ =	sdelay $0x1  }
0x8a: {  	s1 =	srdreg.scid  }
0x8b: {  	s0 =	sand.u32 $0x1, s1  }
0x8c: {  	s18 =	sshll.u32 s0, $0xA;
	s2 =	sadd.s32 s3, s2  }
0x8d: {  	s2 =	sadd.s32 s2, s18  }
0x8e: {  	[smem:$0x3FC7] =	sst s2  }
0x8f: {  	_ = 	snop  }
0x90: {  	s2 =	sld [smem:$0x3FC9]  }
0x91: {  	s19 =	sld [smem:$0x3FD0];
	(tm) =	ssettm $0x1  }
0x92: {  	s4 =	sld [smem:$0x3FFB];
	_ =	sdelay $0x3  }
0x93: {  	_ =	strace s4  }
0x94: {  	s4 =	sld [smem:$0x3FFC];
	_ =	sdelay $0x3  }
0x95: {  	_ =	strace s4  }
0x96: {  	s4 =	sld [smem:$0x3FFD];
	_ =	sdelay $0x3  }
0x97: {  	_ =	strace s4  }
0x98: {  	_ =	strace $0x8FFFFFFF  }
0x99: {  	s20 =	sld [smem:$0x3FDB];
	_ =	sdelay $0x1  }
0x9a: {  	s5 =	simm.s32 $_scs_section_size  }
0x9b: {  	s6 =	simm.s32 $_size__tile_overlayer_lowered;
	s7 =	simm.s32 $_tile_overlayer_lowered  }
0x9c: {  	s23 =	simm.s32 $0x1BFF;
	s22 =	sshll.u32 s7, $0x1;
	s4 =	sadd.s32 s5, s20  }
0x9d: {  	s8 =	simm.s32 $0x0;
	s21 =	sshll.u32 s6, $0x1;
	s6 =	sadd.s32 s22, s4  }
0x9e: {  	[timem:s8], [sflag:s23] =	dma.local [hbm:s6], s21  }
0x9f: {  	_ =	swait.ge [sflag:s23], s21  }
0xa0: {  	s5 =	ssub.s32 $0x0, s21;
	[sflag:s23] =	ssyncset.done $0x0  }
0xa1: {  	[sflag:s23] =	ssyncadd.s32 s5;
	_ =	sdelay $0x1  }
0xa2: {  	s24 =	simm.s32 $0x1B8B  }
0xa3: {  	_ =	swait.ge [sflag:s24], $0x1  }
0xa4: {  	[sflag:s24] =	ssyncset.done $0x0  }
0xa5: {  	s25 =	simm.s32 $0x1B8E;
	[sflag:s24] =	ssyncadd.s32 $0xFFFFFFFF  }
0xa6: {  	s26 =	simm.s32 $execute0_lowered;
	[smem:$0x3FD2] =	sst s25  }
0xa7: {  	s5 =	sshll.u32 s26, $0x1;
	_ =	strace $0x80000046;
	[dreg:$0x1] =	wrdreg $0xFFFFFFFF  }
0xa8: {  	s28 =	simm.s32 $_size_execute0_lowered;
	s4 =	sadd.s32 s4, s5;
	[dreg:$0x0] =	wrdreg $0x0  }
0xa9: {  	s5 =	sshll.u32 s28, $0x1;
	[dreg:$0x2] =	wrdreg s4  }
0xaa: {  	[dreg:$0x3] =	wrdreg s5  }
0xab: {  	[dreg:$0x4] =	wrdreg $0xC0  }
0xac: {  	_ =	task [dreg:s8], $0x5FFFF  }
0xad: {  	[dreg:$0x1] =	wrdreg $0xFFFFFFFF  }
0xae: {  	[dreg:$0x0] =	wrdreg $0x60  }
0xaf: {  	[dreg:$0x2] =	wrdreg s2  }
0xb0: {  	[dreg:$0x3] =	wrdreg s19  }
0xb1: {  	[dreg:$0x4] =	wrdreg $0x9  }
0xb2: {  	_ =	task.clear_ibuf [dreg:s8], $0x5FFFF;
	_ =	strace $0x90000046  }
0xb3: {  	s29 =	simm.s32 $0x9;
	_ =	strace $0x80000048  }
0xb4: {  	_ =	swait.ge [sflag:s29], $0x1  }
0xb5: {  	[sflag:s29] =	ssyncadd.s32 $0xFFFFFFFF  }
0xb6: {  	_ =	strace $0x90000048  }
0xb7: {  	_ =	sfence  }
0xb8: {  	s30 =	sld [smem:$0x0];
	_ =	sdelay $0x2  }
0xb9: {  	s31 =	sshll.u32 s1, $0xD;
	s1 =	sshrl.u32 s1, $0x2  }
0xba: {  	s3 =	sand.u32 $0x4000, s31;
	s1 =	sadd.s32 s1, s30  }
0xbb: {  	s0 =	sor.u32 s3, s0;
	s1 =	sshll.u32 s1, $0x11  }
0xbc: {  	s0 =	sor.u32 s1, s0  }
0xbd: {  	s0 =	sadd.s32 $0x8F2B, s0  }
0xbe: {  	[sflag:s0] =	ssyncadd.remote.s32 $0x1  }
0xbf: {  	_ =	sfence.sel $0xFFFF  }
0xc0: {  	[dreg:$0x0] =	wrdreg $0xFFFFFFFF;
	(pc) =	sbr.abs _section_cstart, $3  }
0xc1: {  	[dreg:$0x1] =	wrdreg $0xFFFFFFFF  }
0xc2: {  	_ =	task.clear_ibuf [dreg:s8], $0x2FFFF;
	_ =	strace $0x9FFFFFFF  }
0xc3: {  	(tm) =	ssettm $0x7FFFFFFF  }
tec
execute0_lowered:
.L_overlay_start_1:
0x0: {  	(tag) =	ssettag $0x1  }
0x1: {  	s1 =	rddreg [dreg:$0x0]  }
0x2: {  	s0 =	rddreg [dreg:$0x1];
	s3 =	srdreg.scid  }
0x3: {  	s2 =	simm.s32 $0x0;
	s5 =	stileid.u32;
	p0 =	por $0x0, $0x0  }
0x4: {  	s3 =	sand.u32 $0x1, s3;
	[smem:$0x7FF] =	sst s2;
	s5 =	sshll.u32 s5, $0x1  }
0x5: {  	s4 =	ssub.s32 $0x2, s3;
	_ =	strace $0x80000047;
	s3 =	sor.u32 s3, s5  }
0x6: {  	s6 =	sshrl.u32 s4, $0x1;
	s23 =	sshll.u32 s3, $0x12;
	s25 =	sshll.u32 s3, $0xF  }
0x7: {  	s3 =	sshll.u32 s3, $0x17;
	s4 =	ssub.s32 s4, s6;
	s6 =	sadd.s32 s1, s25  }
0x8: {  	s7 =	sor.u32 $0xE000, s23;
	s8 =	sand.u32 $0x1800000, s3;
	s5 =	sadd.s32 $0x800000, s3  }
0x9: {  	s3 =	sadd.s32 $0x1800000, s3;
	s20 =	sor.u32 $0x1C000, s23;
	[dreg:$0x4] =	wrdreg s4  }
0xa: {  	s21 =	sor.u32 $0x2A000, s23;
	s22 =	sor.u32 $0x38000, s23;
	[dreg:$0x3] =	wrdreg s6  }
0xb: {  	s26 =	sshrl.u32 s7, $0x3;
	s24 =	sor.u32 s23, s8;
	s10 =	sand.u32 $0x1800000, s5  }
0xc: {  	s12 =	sxor.u32 $0x1000000, s8;
	s15 =	sand.u32 $0x1800000, s3;
	s17 =	sor.u32 s7, s8  }
0xd: {  	s9 =	sshrl.u32 s21, $0x3;
	s31 =	sor.u32 s20, s8;
	s11 =	sadd.s32 s1, s26  }
0xe: {  	s13 =	sor.u32 s23, s10;
	s14 =	sor.u32 s23, s12;
	s16 =	sor.u32 s23, s15  }
0xf: {  	s18 =	sor.u32 s7, s10;
	s19 =	sor.u32 s7, s12;
	s3 =	sor.u32 s7, s15  }
0x10: {  	s7 =	sshrl.u32 s20, $0x3;
	s23 =	sshrl.u32 s22, $0x3;
	s4 =	sadd.s32 s1, s9  }
0x11: {  	s5 =	sor.u32 s20, s12;
	s9 =	sor.u32 s21, s10;
	s25 =	sor.u32 s21, s12  }
0x12: {  	s12 =	sor.u32 s22, s12;
	s26 =	sshrl.u32 s24, $0x3;
	[dreg:$0x5] =	wrdreg s3  }
0x13: {  	s6 =	sadd.s32 s1, s7;
	s3 =	sadd.s32 s1, s23;
	s1 =	sor.u32 s20, s10  }
0x14: {  	s20 =	sor.u32 s20, s15;
	s7 =	sor.u32 s21, s8;
	[dreg:$0x7] =	wrdreg s25  }
0x15: {  	s21 =	sor.u32 s21, s15;
	s8 =	sor.u32 s22, s8;
	s10 =	sor.u32 s22, s10  }
0x16: {  	s22 =	sor.u32 s22, s15;
	s23 =	sadd.s32 s0, s26;
	s13 =	sshrl.u32 s13, $0x3  }
0x17: {  	s14 =	sshrl.u32 s14, $0x3;
	s15 =	sshrl.u32 s16, $0x3;
	s16 =	sshrl.u32 s17, $0x3  }
0x18: {  	s17 =	sshrl.u32 s18, $0x3;
	s18 =	sshrl.u32 s19, $0x3;
	s12 =	sshrl.u32 s12, $0x3  }
0x19: {  	[dreg:$0x6] =	wrdreg s21;
	s24 =	sadd.s32 s0, s13;
	s25 =	sadd.s32 s0, s14  }
0x1a: {  	s29 =	sadd.s32 s0, s15;
	s26 =	sadd.s32 s0, s16;
	s28 =	sadd.s32 s0, s17  }
0x1b: {  	s30 =	sadd.s32 s0, s18;
	s19 =	rddreg [dreg:$0x5];
	s21 =	sshrl.u32 s31, $0x3  }
0x1c: {  	s1 =	sshrl.u32 s1, $0x3;
	s14 =	sshrl.u32 s20, $0x3;
	s15 =	sshrl.u32 s7, $0x3  }
0x1d: {  	s16 =	sshrl.u32 s9, $0x3;
	s17 =	rddreg [dreg:$0x7];
	s13 =	sshrl.u32 s19, $0x3  }
0x1e: {  	s18 =	sadd.s32 s0, s21;
	s21 =	sadd.s32 s0, s14;
	s14 =	sshrl.u32 s22, $0x3  }
0x1f: {  	s22 =	rddreg [dreg:$0x4];
	s31 =	sadd.s32 s0, s13;
	s13 =	sshrl.u32 s5, $0x3  }
0x20: {  	s5 =	sshrl.u32 s17, $0x3;
	s20 =	sadd.s32 s0, s13;
	s13 =	sadd.s32 s0, s15  }
0x21: {  	s15 =	sadd.s32 s0, s16;
	s16 =	sadd.s32 s0, s5;
	s5 =	smax.u32 s22, $0x1  }
0x22: {  	s9 =	sshrl.u32 s8, $0x3;
	s10 =	sshrl.u32 s10, $0x3;
	p1 =	sne.s32 s5, $0x1  }
.Ltmp0:
0x23: {  	s19 =	sadd.s32 s0, s1;
	s7 =	rddreg [dreg:$0x6];
	(pc) =	sbr.rel @!p1 .LBB2_3-.Ltmp0, $4  }
0x24: {  	s8 =	sadd.s32 s0, s9;
	s9 =	sadd.s32 s0, s10;
	s10 =	sadd.s32 s0, s12  }
0x25: {  	s1 =	sshrl.u32 s7, $0x3;
	s12 =	sadd.s32 s0, s14;
	s14 =	simm.s32 $0x1  }
0x26: {  	s7 =	simm.s32 $0x3;
	s17 =	sadd.s32 s0, s1;
	s22 =	simm.s32 $0xE000  }
0x27: {  	s1 =	rddreg [dreg:$0x3];
	s0 =	sadd.s32 $0xFFFFFFFF, s5;
	s5 =	simm.s32 $0x2  }
0x28: {  	[tilespmem:s2], [sflag:$0x1] =	stream.linear.gather [hbm4b:s1+s2], $0xE000, $0x38;
	[tilespmem:$0x1C000] =	vst v63  }
0x29: {  	_ = 	snop  }
0x2a: {  	[tilespmem:s22], [sflag:$0x1] =	stream.linear.gather [hbm4b:s11+s2], $0xE000, $0x38;
	[tilespmem:$0x1C000] =	vst v63  }
0x2b: {  	_ =	swait.ge [sflag:s14], $0xE000  }
0x2c: {  	[sflag:s14] =	ssyncset.done $0x0  }
0x2d: {  	[sflag:s14] =	ssyncadd.s32 $0xFFFF2000  }
0x2e: {  	[hbm4b:s23+s2] =	stream.linear.scatter [tilespmem:s2], [sflag:$0x2], $0xE000, $0x38;
	[tilespmem:$0x1C000] =	vst v63  }
0x2f: {  	_ = 	snop  }
0x30: {  	[hbm4b:s24+s2] =	stream.linear.scatter [tilespmem:s2], [sflag:$0x2], $0xE000, $0x38;
	[tilespmem:$0x1C000] =	vst v63  }
0x31: {  	_ = 	snop  }
0x32: {  	[hbm4b:s25+s2] =	stream.linear.scatter [tilespmem:s2], [sflag:$0x2], $0xE000, $0x38;
	[tilespmem:$0x1C000] =	vst v63  }
0x33: {  	_ = 	snop  }
0x34: {  	[hbm4b:s29+s2] =	stream.linear.scatter [tilespmem:s2], [sflag:$0x2], $0xE000, $0x38;
	[tilespmem:$0x1C000] =	vst v63  }
0x35: {  	_ =	swait.ge [sflag:s14], $0xE000  }
0x36: {  	[sflag:s14] =	ssyncset.done $0x0  }
0x37: {  	[sflag:s14] =	ssyncadd.s32 $0xFFFF2000  }
0x38: {  	[hbm4b:s26+s2] =	stream.linear.scatter [tilespmem:s22], [sflag:$0x3], $0xE000, $0x38;
	[tilespmem:$0x1C000] =	vst v63  }
0x39: {  	_ = 	snop  }
0x3a: {  	[hbm4b:s28+s2] =	stream.linear.scatter [tilespmem:s22], [sflag:$0x3], $0xE000, $0x38;
	[tilespmem:$0x1C000] =	vst v63  }
0x3b: {  	_ = 	snop  }
0x3c: {  	[hbm4b:s30+s2] =	stream.linear.scatter [tilespmem:s22], [sflag:$0x3], $0xE000, $0x38;
	[tilespmem:$0x1C000] =	vst v63  }
0x3d: {  	_ = 	snop  }
0x3e: {  	[hbm4b:s31+s2] =	stream.linear.scatter [tilespmem:s22], [sflag:$0x3], $0xE000, $0x38;
	[tilespmem:$0x1C000] =	vst v63  }
0x3f: {  	_ =	swait.ge [sflag:s5], $0xE000  }
0x40: {  	[sflag:s5] =	ssyncset.done $0x0  }
0x41: {  	[sflag:s5] =	ssyncadd.s32 $0xFFFF2000  }
0x42: {  	_ =	swait.ge [sflag:s5], $0xE000  }
0x43: {  	[sflag:s5] =	ssyncset.done $0x0  }
0x44: {  	[sflag:s5] =	ssyncadd.s32 $0xFFFF2000  }
0x45: {  	_ =	swait.ge [sflag:s5], $0xE000  }
0x46: {  	[sflag:s5] =	ssyncset.done $0x0  }
0x47: {  	[sflag:s5] =	ssyncadd.s32 $0xFFFF2000  }
0x48: {  	_ =	swait.ge [sflag:s5], $0xE000  }
0x49: {  	[sflag:s5] =	ssyncset.done $0x0  }
0x4a: {  	[sflag:s5] =	ssyncadd.s32 $0xFFFF2000  }
0x4b: {  	[tilespmem:s2], [sflag:$0x1] =	stream.linear.gather [hbm4b:s6+s2], $0xE000, $0x38;
	[tilespmem:$0x1C000] =	vst v63  }
0x4c: {  	_ =	swait.ge [sflag:s14], $0xE000  }
0x4d: {  	[sflag:s14] =	ssyncset.done $0x0  }
0x4e: {  	[sflag:s14] =	ssyncadd.s32 $0xFFFF2000  }
0x4f: {  	[hbm4b:s18+s2] =	stream.linear.scatter [tilespmem:s2], [sflag:$0x2], $0xE000, $0x38;
	[tilespmem:$0x1C000] =	vst v63  }
0x50: {  	_ = 	snop  }
0x51: {  	[hbm4b:s19+s2] =	stream.linear.scatter [tilespmem:s2], [sflag:$0x2], $0xE000, $0x38;
	[tilespmem:$0x1C000] =	vst v63  }
0x52: {  	_ = 	snop  }
0x53: {  	[hbm4b:s20+s2] =	stream.linear.scatter [tilespmem:s2], [sflag:$0x2], $0xE000, $0x38;
	[tilespmem:$0x1C000] =	vst v63  }
0x54: {  	_ = 	snop  }
0x55: {  	[hbm4b:s21+s2] =	stream.linear.scatter [tilespmem:s2], [sflag:$0x2], $0xE000, $0x38;
	[tilespmem:$0x1C000] =	vst v63  }
0x56: {  	_ =	swait.ge [sflag:s7], $0xE000  }
0x57: {  	[sflag:s7] =	ssyncset.done $0x0  }
0x58: {  	[sflag:s7] =	ssyncadd.s32 $0xFFFF2000  }
0x59: {  	_ =	swait.ge [sflag:s7], $0xE000  }
0x5a: {  	[sflag:s7] =	ssyncset.done $0x0  }
0x5b: {  	[sflag:s7] =	ssyncadd.s32 $0xFFFF2000  }
0x5c: {  	_ =	swait.ge [sflag:s7], $0xE000  }
0x5d: {  	[sflag:s7] =	ssyncset.done $0x0  }
0x5e: {  	[sflag:s7] =	ssyncadd.s32 $0xFFFF2000  }
0x5f: {  	_ =	swait.ge [sflag:s7], $0xE000  }
0x60: {  	[sflag:s7] =	ssyncset.done $0x0  }
0x61: {  	[sflag:s7] =	ssyncadd.s32 $0xFFFF2000  }
0x62: {  	[tilespmem:s22], [sflag:$0x1] =	stream.linear.gather [hbm4b:s4+s2], $0xE000, $0x38;
	[tilespmem:$0x1C000] =	vst v63  }
0x63: {  	_ =	swait.ge [sflag:s14], $0xE000  }
0x64: {  	[sflag:s14] =	ssyncset.done $0x0  }
0x65: {  	[sflag:s14] =	ssyncadd.s32 $0xFFFF2000  }
0x66: {  	[hbm4b:s13+s2] =	stream.linear.scatter [tilespmem:s22], [sflag:$0x3], $0xE000, $0x38;
	[tilespmem:$0x1C000] =	vst v63  }
0x67: {  	_ = 	snop  }
0x68: {  	[hbm4b:s15+s2] =	stream.linear.scatter [tilespmem:s22], [sflag:$0x3], $0xE000, $0x38;
	[tilespmem:$0x1C000] =	vst v63  }
0x69: {  	_ = 	snop  }
0x6a: {  	[hbm4b:s16+s2] =	stream.linear.scatter [tilespmem:s22], [sflag:$0x3], $0xE000, $0x38;
	[tilespmem:$0x1C000] =	vst v63  }
0x6b: {  	_ = 	snop  }
0x6c: {  	[hbm4b:s17+s2] =	stream.linear.scatter [tilespmem:s22], [sflag:$0x3], $0xE000, $0x38;
	[tilespmem:$0x1C000] =	vst v63  }
0x6d: {  	_ =	swait.ge [sflag:s5], $0xE000  }
0x6e: {  	[sflag:s5] =	ssyncset.done $0x0  }
0x6f: {  	[sflag:s5] =	ssyncadd.s32 $0xFFFF2000  }
0x70: {  	_ =	swait.ge [sflag:s5], $0xE000  }
0x71: {  	[sflag:s5] =	ssyncset.done $0x0  }
0x72: {  	[sflag:s5] =	ssyncadd.s32 $0xFFFF2000  }
0x73: {  	_ =	swait.ge [sflag:s5], $0xE000  }
0x74: {  	[sflag:s5] =	ssyncset.done $0x0  }
0x75: {  	[sflag:s5] =	ssyncadd.s32 $0xFFFF2000  }
0x76: {  	_ =	swait.ge [sflag:s5], $0xE000  }
0x77: {  	[sflag:s5] =	ssyncset.done $0x0  }
0x78: {  	[sflag:s5] =	ssyncadd.s32 $0xFFFF2000  }
0x79: {  	[tilespmem:s2], [sflag:$0x1] =	stream.linear.gather [hbm4b:s3+s2], $0x8000, $0x38;
	[tilespmem:$0x1C000] =	vst v63  }
0x7a: {  	_ =	swait.ge [sflag:s14], $0x8000  }
0x7b: {  	[sflag:s14] =	ssyncset.done $0x0  }
0x7c: {  	[sflag:s14] =	ssyncadd.s32 $0xFFFF8000  }
0x7d: {  	[hbm4b:s8+s2] =	stream.linear.scatter [tilespmem:s2], [sflag:$0x2], $0x8000, $0x38;
	[tilespmem:$0x1C000] =	vst v63  }
0x7e: {  	_ = 	snop  }
0x7f: {  	[hbm4b:s9+s2] =	stream.linear.scatter [tilespmem:s2], [sflag:$0x2], $0x8000, $0x38;
	[tilespmem:$0x1C000] =	vst v63  }
0x80: {  	_ = 	snop  }
0x81: {  	[hbm4b:s10+s2] =	stream.linear.scatter [tilespmem:s2], [sflag:$0x2], $0x8000, $0x38;
	[tilespmem:$0x1C000] =	vst v63  }
0x82: {  	_ = 	snop  }
0x83: {  	[hbm4b:s12+s2] =	stream.linear.scatter [tilespmem:s2], [sflag:$0x2], $0x8000, $0x38;
	[tilespmem:$0x1C000] =	vst v63  }
0x84: {  	_ =	swait.ge [sflag:s7], $0xE000  }
0x85: {  	[sflag:s7] =	ssyncset.done $0x0  }
0x86: {  	[sflag:s7] =	ssyncadd.s32 $0xFFFF2000  }
0x87: {  	_ =	swait.ge [sflag:s7], $0xE000  }
0x88: {  	[sflag:s7] =	ssyncset.done $0x0  }
0x89: {  	[sflag:s7] =	ssyncadd.s32 $0xFFFF2000  }
0x8a: {  	_ =	swait.ge [sflag:s7], $0xE000  }
0x8b: {  	[sflag:s7] =	ssyncset.done $0x0  }
0x8c: {  	[sflag:s7] =	ssyncadd.s32 $0xFFFF2000  }
0x8d: {  	_ =	swait.ge [sflag:s7], $0xE000  }
0x8e: {  	[sflag:s7] =	ssyncset.done $0x0  }
0x8f: {  	[sflag:s7] =	ssyncadd.s32 $0xFFFF2000  }
0x90: {  	_ =	swait.ge [sflag:s5], $0x8000  }
0x91: {  	[sflag:s5] =	ssyncset.done $0x0  }
0x92: {  	[sflag:s5] =	ssyncadd.s32 $0xFFFF8000  }
0x93: {  	_ =	swait.ge [sflag:s5], $0x8000  }
0x94: {  	[sflag:s5] =	ssyncset.done $0x0  }
0x95: {  	p1 =	sne.s32 s0, $0x1;
	[sflag:s5] =	ssyncadd.s32 $0xFFFF8000  }
.Ltmp1:
0x96: {  	_ =	swait.ge [sflag:s5], $0x8000;
	(pc) =	sbr.rel @!p1 .LBB2_3-.Ltmp1, $4  }
0x97: {  	[sflag:s5] =	ssyncset.done $0x0  }
0x98: {  	[sflag:s5] =	ssyncadd.s32 $0xFFFF8000  }
0x99: {  	s0 =	sadd.s32 $0xFFFFFFFF, s0;
	_ =	swait.ge [sflag:s5], $0x8000  }
0x9a: {  	p0 =	por $0x1, $0x1;
	s1 =	rddreg [dreg:$0x3];
	[sflag:s5] =	ssyncset.done $0x0  }
.LBB2_2:
0x9b: {  	[sflag:s5] =	ssyncadd.s32 $0xFFFF8000  }
0x9c: {  	[tilespmem:s2], [sflag:$0x1] =	stream.linear.gather [hbm4b:s1+s2], $0xE000, $0x38;
	[tilespmem:$0x1C000] =	vst v63  }
0x9d: {  	_ = 	snop  }
0x9e: {  	[tilespmem:s22], [sflag:$0x1] =	stream.linear.gather [hbm4b:s11+s2], $0xE000, $0x38;
	[tilespmem:$0x1C000] =	vst v63  }
0x9f: {  	_ =	swait.ge [sflag:s14], $0xE000  }
0xa0: {  	[sflag:s14] =	ssyncset.done $0x0  }
0xa1: {  	[sflag:s14] =	ssyncadd.s32 $0xFFFF2000  }
0xa2: {  	[hbm4b:s23+s2] =	stream.linear.scatter [tilespmem:s2], [sflag:$0x2], $0xE000, $0x38;
	[tilespmem:$0x1C000] =	vst v63  }
0xa3: {  	_ = 	snop  }
0xa4: {  	[hbm4b:s24+s2] =	stream.linear.scatter [tilespmem:s2], [sflag:$0x2], $0xE000, $0x38;
	[tilespmem:$0x1C000] =	vst v63  }
0xa5: {  	_ = 	snop  }
0xa6: {  	[hbm4b:s25+s2] =	stream.linear.scatter [tilespmem:s2], [sflag:$0x2], $0xE000, $0x38;
	[tilespmem:$0x1C000] =	vst v63  }
0xa7: {  	_ = 	snop  }
0xa8: {  	[hbm4b:s29+s2] =	stream.linear.scatter [tilespmem:s2], [sflag:$0x2], $0xE000, $0x38;
	[tilespmem:$0x1C000] =	vst v63  }
0xa9: {  	_ =	swait.ge [sflag:s14], $0xE000  }
0xaa: {  	[sflag:s14] =	ssyncset.done $0x0  }
0xab: {  	[sflag:s14] =	ssyncadd.s32 $0xFFFF2000  }
0xac: {  	[hbm4b:s26+s2] =	stream.linear.scatter [tilespmem:s22], [sflag:$0x3], $0xE000, $0x38;
	[tilespmem:$0x1C000] =	vst v63  }
0xad: {  	_ = 	snop  }
0xae: {  	[hbm4b:s28+s2] =	stream.linear.scatter [tilespmem:s22], [sflag:$0x3], $0xE000, $0x38;
	[tilespmem:$0x1C000] =	vst v63  }
0xaf: {  	_ = 	snop  }
0xb0: {  	[hbm4b:s30+s2] =	stream.linear.scatter [tilespmem:s22], [sflag:$0x3], $0xE000, $0x38;
	[tilespmem:$0x1C000] =	vst v63  }
0xb1: {  	_ = 	snop  }
0xb2: {  	[hbm4b:s31+s2] =	stream.linear.scatter [tilespmem:s22], [sflag:$0x3], $0xE000, $0x38;
	[tilespmem:$0x1C000] =	vst v63  }
0xb3: {  	_ =	swait.ge [sflag:s5], $0xE000  }
0xb4: {  	[sflag:s5] =	ssyncset.done $0x0  }
0xb5: {  	[sflag:s5] =	ssyncadd.s32 $0xFFFF2000  }
0xb6: {  	_ =	swait.ge [sflag:s5], $0xE000  }
0xb7: {  	[sflag:s5] =	ssyncset.done $0x0  }
0xb8: {  	[sflag:s5] =	ssyncadd.s32 $0xFFFF2000  }
0xb9: {  	_ =	swait.ge [sflag:s5], $0xE000  }
0xba: {  	[sflag:s5] =	ssyncset.done $0x0  }
0xbb: {  	[sflag:s5] =	ssyncadd.s32 $0xFFFF2000  }
0xbc: {  	_ =	swait.ge [sflag:s5], $0xE000  }
0xbd: {  	[sflag:s5] =	ssyncset.done $0x0  }
0xbe: {  	[sflag:s5] =	ssyncadd.s32 $0xFFFF2000  }
0xbf: {  	[tilespmem:s2], [sflag:$0x1] =	stream.linear.gather [hbm4b:s6+s2], $0xE000, $0x38;
	[tilespmem:$0x1C000] =	vst v63  }
0xc0: {  	_ =	swait.ge [sflag:s14], $0xE000  }
0xc1: {  	[sflag:s14] =	ssyncset.done $0x0  }
0xc2: {  	[sflag:s14] =	ssyncadd.s32 $0xFFFF2000  }
0xc3: {  	[hbm4b:s18+s2] =	stream.linear.scatter [tilespmem:s2], [sflag:$0x2], $0xE000, $0x38;
	[tilespmem:$0x1C000] =	vst v63  }
0xc4: {  	_ = 	snop  }
0xc5: {  	[hbm4b:s19+s2] =	stream.linear.scatter [tilespmem:s2], [sflag:$0x2], $0xE000, $0x38;
	[tilespmem:$0x1C000] =	vst v63  }
0xc6: {  	_ = 	snop  }
0xc7: {  	[hbm4b:s20+s2] =	stream.linear.scatter [tilespmem:s2], [sflag:$0x2], $0xE000, $0x38;
	[tilespmem:$0x1C000] =	vst v63  }
0xc8: {  	_ = 	snop  }
0xc9: {  	[hbm4b:s21+s2] =	stream.linear.scatter [tilespmem:s2], [sflag:$0x2], $0xE000, $0x38;
	[tilespmem:$0x1C000] =	vst v63  }
0xca: {  	_ =	swait.ge [sflag:s7], $0xE000  }
0xcb: {  	[sflag:s7] =	ssyncset.done $0x0  }
0xcc: {  	[sflag:s7] =	ssyncadd.s32 $0xFFFF2000  }
0xcd: {  	_ =	swait.ge [sflag:s7], $0xE000  }
0xce: {  	[sflag:s7] =	ssyncset.done $0x0  }
0xcf: {  	[sflag:s7] =	ssyncadd.s32 $0xFFFF2000  }
0xd0: {  	_ =	swait.ge [sflag:s7], $0xE000  }
0xd1: {  	[sflag:s7] =	ssyncset.done $0x0  }
0xd2: {  	[sflag:s7] =	ssyncadd.s32 $0xFFFF2000  }
0xd3: {  	_ =	swait.ge [sflag:s7], $0xE000  }
0xd4: {  	[sflag:s7] =	ssyncset.done $0x0  }
0xd5: {  	[sflag:s7] =	ssyncadd.s32 $0xFFFF2000  }
0xd6: {  	[tilespmem:s22], [sflag:$0x1] =	stream.linear.gather [hbm4b:s4+s2], $0xE000, $0x38;
	[tilespmem:$0x1C000] =	vst v63  }
0xd7: {  	_ =	swait.ge [sflag:s14], $0xE000  }
0xd8: {  	[sflag:s14] =	ssyncset.done $0x0  }
0xd9: {  	[sflag:s14] =	ssyncadd.s32 $0xFFFF2000  }
0xda: {  	[hbm4b:s13+s2] =	stream.linear.scatter [tilespmem:s22], [sflag:$0x3], $0xE000, $0x38;
	[tilespmem:$0x1C000] =	vst v63  }
0xdb: {  	_ = 	snop  }
0xdc: {  	[hbm4b:s15+s2] =	stream.linear.scatter [tilespmem:s22], [sflag:$0x3], $0xE000, $0x38;
	[tilespmem:$0x1C000] =	vst v63  }
0xdd: {  	_ = 	snop  }
0xde: {  	[hbm4b:s16+s2] =	stream.linear.scatter [tilespmem:s22], [sflag:$0x3], $0xE000, $0x38;
	[tilespmem:$0x1C000] =	vst v63  }
0xdf: {  	_ = 	snop  }
0xe0: {  	[hbm4b:s17+s2] =	stream.linear.scatter [tilespmem:s22], [sflag:$0x3], $0xE000, $0x38;
	[tilespmem:$0x1C000] =	vst v63  }
0xe1: {  	_ =	swait.ge [sflag:s5], $0xE000  }
0xe2: {  	[sflag:s5] =	ssyncset.done $0x0  }
0xe3: {  	[sflag:s5] =	ssyncadd.s32 $0xFFFF2000  }
0xe4: {  	_ =	swait.ge [sflag:s5], $0xE000  }
0xe5: {  	[sflag:s5] =	ssyncset.done $0x0  }
0xe6: {  	[sflag:s5] =	ssyncadd.s32 $0xFFFF2000  }
0xe7: {  	_ =	swait.ge [sflag:s5], $0xE000  }
0xe8: {  	[sflag:s5] =	ssyncset.done $0x0  }
0xe9: {  	[sflag:s5] =	ssyncadd.s32 $0xFFFF2000  }
0xea: {  	_ =	swait.ge [sflag:s5], $0xE000  }
0xeb: {  	[sflag:s5] =	ssyncset.done $0x0  }
0xec: {  	[sflag:s5] =	ssyncadd.s32 $0xFFFF2000  }
0xed: {  	[tilespmem:s2], [sflag:$0x1] =	stream.linear.gather [hbm4b:s3+s2], $0x8000, $0x38;
	[tilespmem:$0x1C000] =	vst v63  }
0xee: {  	_ =	swait.ge [sflag:s14], $0x8000  }
0xef: {  	[sflag:s14] =	ssyncset.done $0x0  }
0xf0: {  	[sflag:s14] =	ssyncadd.s32 $0xFFFF8000  }
0xf1: {  	[hbm4b:s8+s2] =	stream.linear.scatter [tilespmem:s2], [sflag:$0x2], $0x8000, $0x38;
	[tilespmem:$0x1C000] =	vst v63  }
0xf2: {  	_ = 	snop  }
0xf3: {  	[hbm4b:s9+s2] =	stream.linear.scatter [tilespmem:s2], [sflag:$0x2], $0x8000, $0x38;
	[tilespmem:$0x1C000] =	vst v63  }
0xf4: {  	_ = 	snop  }
0xf5: {  	[hbm4b:s10+s2] =	stream.linear.scatter [tilespmem:s2], [sflag:$0x2], $0x8000, $0x38;
	[tilespmem:$0x1C000] =	vst v63  }
0xf6: {  	_ = 	snop  }
0xf7: {  	[hbm4b:s12+s2] =	stream.linear.scatter [tilespmem:s2], [sflag:$0x2], $0x8000, $0x38;
	[tilespmem:$0x1C000] =	vst v63  }
0xf8: {  	_ =	swait.ge [sflag:s7], $0xE000  }
0xf9: {  	[sflag:s7] =	ssyncset.done $0x0  }
0xfa: {  	[sflag:s7] =	ssyncadd.s32 $0xFFFF2000  }
0xfb: {  	_ =	swait.ge [sflag:s7], $0xE000  }
0xfc: {  	[sflag:s7] =	ssyncset.done $0x0  }
0xfd: {  	[sflag:s7] =	ssyncadd.s32 $0xFFFF2000  }
0xfe: {  	_ =	swait.ge [sflag:s7], $0xE000  }
0xff: {  	[sflag:s7] =	ssyncset.done $0x0  }
0x100: {  	[sflag:s7] =	ssyncadd.s32 $0xFFFF2000  }
0x101: {  	_ =	swait.ge [sflag:s7], $0xE000  }
0x102: {  	[sflag:s7] =	ssyncset.done $0x0  }
0x103: {  	[sflag:s7] =	ssyncadd.s32 $0xFFFF2000  }
0x104: {  	_ =	swait.ge [sflag:s5], $0x8000  }
0x105: {  	[sflag:s5] =	ssyncset.done $0x0  }
0x106: {  	[sflag:s5] =	ssyncadd.s32 $0xFFFF8000  }
0x107: {  	_ =	swait.ge [sflag:s5], $0x8000  }
0x108: {  	[sflag:s5] =	ssyncset.done $0x0  }
0x109: {  	p1 =	sne.s32 s0, $0x1;
	[sflag:s5] =	ssyncadd.s32 $0xFFFF8000  }
.Ltmp2:
0x10a: {  	_ =	swait.ge [sflag:s5], $0x8000;
	(pc) =	sbr.rel @p1 .LBB2_2-.Ltmp2, $4  }
0x10b: {  	[sflag:s5] =	ssyncset.done $0x0  }
0x10c: {  	[sflag:s5] =	ssyncadd.s32 $0xFFFF8000  }
0x10d: {  	_ =	swait.ge [sflag:s5], $0x8000  }
0x10e: {  	s0 =	sadd.s32 $0xFFFFFFFF, s0;
	s1 =	rddreg [dreg:$0x3];
	[sflag:s5] =	ssyncset.done $0x0  }
.LBB2_3:
0x10f: {  	[sflag:s5] =	ssyncadd.s32 @p0 $0xFFFF8000  }
0x110: {  	[tilespmem:s2], [sflag:$0x1] =	stream.linear.gather [hbm4b:s1+s2], $0xE000, $0x38;
	[tilespmem:$0x1C000] =	vst v63  }
0x111: {  	_ = 	snop  }
0x112: {  	[tilespmem:s22], [sflag:$0x1] =	stream.linear.gather [hbm4b:s11+s2], $0xE000, $0x38;
	[tilespmem:$0x1C000] =	vst v63  }
0x113: {  	_ =	swait.ge [sflag:s14], $0xE000  }
0x114: {  	[sflag:s14] =	ssyncset.done $0x0  }
0x115: {  	[sflag:s14] =	ssyncadd.s32 $0xFFFF2000  }
0x116: {  	[hbm4b:s23+s2] =	stream.linear.scatter [tilespmem:s2], [sflag:$0x2], $0xE000, $0x38;
	[tilespmem:$0x1C000] =	vst v63  }
0x117: {  	_ = 	snop  }
0x118: {  	[hbm4b:s24+s2] =	stream.linear.scatter [tilespmem:s2], [sflag:$0x2], $0xE000, $0x38;
	[tilespmem:$0x1C000] =	vst v63  }
0x119: {  	_ = 	snop  }
0x11a: {  	[hbm4b:s25+s2] =	stream.linear.scatter [tilespmem:s2], [sflag:$0x2], $0xE000, $0x38;
	[tilespmem:$0x1C000] =	vst v63  }
0x11b: {  	_ = 	snop  }
0x11c: {  	[hbm4b:s29+s2] =	stream.linear.scatter [tilespmem:s2], [sflag:$0x2], $0xE000, $0x38;
	[tilespmem:$0x1C000] =	vst v63  }
0x11d: {  	_ =	swait.ge [sflag:s14], $0xE000  }
0x11e: {  	[sflag:s14] =	ssyncset.done $0x0  }
0x11f: {  	[sflag:s14] =	ssyncadd.s32 $0xFFFF2000  }
0x120: {  	[hbm4b:s26+s2] =	stream.linear.scatter [tilespmem:s22], [sflag:$0x3], $0xE000, $0x38;
	[tilespmem:$0x1C000] =	vst v63  }
0x121: {  	_ = 	snop  }
0x122: {  	[hbm4b:s28+s2] =	stream.linear.scatter [tilespmem:s22], [sflag:$0x3], $0xE000, $0x38;
	[tilespmem:$0x1C000] =	vst v63  }
0x123: {  	_ = 	snop  }
0x124: {  	[hbm4b:s30+s2] =	stream.linear.scatter [tilespmem:s22], [sflag:$0x3], $0xE000, $0x38;
	[tilespmem:$0x1C000] =	vst v63  }
0x125: {  	_ = 	snop  }
0x126: {  	[hbm4b:s31+s2] =	stream.linear.scatter [tilespmem:s22], [sflag:$0x3], $0xE000, $0x38;
	[tilespmem:$0x1C000] =	vst v63  }
0x127: {  	_ =	swait.ge [sflag:s5], $0xE000  }
0x128: {  	[sflag:s5] =	ssyncset.done $0x0  }
0x129: {  	[sflag:s5] =	ssyncadd.s32 $0xFFFF2000  }
0x12a: {  	_ =	swait.ge [sflag:s5], $0xE000  }
0x12b: {  	[sflag:s5] =	ssyncset.done $0x0  }
0x12c: {  	[sflag:s5] =	ssyncadd.s32 $0xFFFF2000  }
0x12d: {  	_ =	swait.ge [sflag:s5], $0xE000  }
0x12e: {  	[sflag:s5] =	ssyncset.done $0x0  }
0x12f: {  	[sflag:s5] =	ssyncadd.s32 $0xFFFF2000  }
0x130: {  	_ =	swait.ge [sflag:s5], $0xE000  }
0x131: {  	[sflag:s5] =	ssyncset.done $0x0  }
0x132: {  	[sflag:s5] =	ssyncadd.s32 $0xFFFF2000  }
0x133: {  	[tilespmem:s2], [sflag:$0x1] =	stream.linear.gather [hbm4b:s6+s2], $0xE000, $0x38;
	[tilespmem:$0x1C000] =	vst v63  }
0x134: {  	_ =	swait.ge [sflag:s14], $0xE000  }
0x135: {  	[sflag:s14] =	ssyncset.done $0x0  }
0x136: {  	[sflag:s14] =	ssyncadd.s32 $0xFFFF2000  }
0x137: {  	[hbm4b:s18+s2] =	stream.linear.scatter [tilespmem:s2], [sflag:$0x2], $0xE000, $0x38;
	[tilespmem:$0x1C000] =	vst v63  }
0x138: {  	_ = 	snop  }
0x139: {  	[hbm4b:s19+s2] =	stream.linear.scatter [tilespmem:s2], [sflag:$0x2], $0xE000, $0x38;
	[tilespmem:$0x1C000] =	vst v63  }
0x13a: {  	_ = 	snop  }
0x13b: {  	[hbm4b:s20+s2] =	stream.linear.scatter [tilespmem:s2], [sflag:$0x2], $0xE000, $0x38;
	[tilespmem:$0x1C000] =	vst v63  }
0x13c: {  	_ = 	snop  }
0x13d: {  	[hbm4b:s21+s2] =	stream.linear.scatter [tilespmem:s2], [sflag:$0x2], $0xE000, $0x38;
	[tilespmem:$0x1C000] =	vst v63  }
0x13e: {  	_ =	swait.ge [sflag:s7], $0xE000  }
0x13f: {  	[sflag:s7] =	ssyncset.done $0x0  }
0x140: {  	[sflag:s7] =	ssyncadd.s32 $0xFFFF2000  }
0x141: {  	_ =	swait.ge [sflag:s7], $0xE000  }
0x142: {  	[sflag:s7] =	ssyncset.done $0x0  }
0x143: {  	[sflag:s7] =	ssyncadd.s32 $0xFFFF2000  }
0x144: {  	_ =	swait.ge [sflag:s7], $0xE000  }
0x145: {  	[sflag:s7] =	ssyncset.done $0x0  }
0x146: {  	[sflag:s7] =	ssyncadd.s32 $0xFFFF2000  }
0x147: {  	_ =	swait.ge [sflag:s7], $0xE000  }
0x148: {  	[sflag:s7] =	ssyncset.done $0x0  }
0x149: {  	[sflag:s7] =	ssyncadd.s32 $0xFFFF2000  }
0x14a: {  	[tilespmem:s22], [sflag:$0x1] =	stream.linear.gather [hbm4b:s4+s2], $0xE000, $0x38;
	[tilespmem:$0x1C000] =	vst v63  }
0x14b: {  	_ =	swait.ge [sflag:s14], $0xE000  }
0x14c: {  	[sflag:s14] =	ssyncset.done $0x0  }
0x14d: {  	[sflag:s14] =	ssyncadd.s32 $0xFFFF2000  }
0x14e: {  	[hbm4b:s13+s2] =	stream.linear.scatter [tilespmem:s22], [sflag:$0x3], $0xE000, $0x38;
	[tilespmem:$0x1C000] =	vst v63  }
0x14f: {  	_ = 	snop  }
0x150: {  	[hbm4b:s15+s2] =	stream.linear.scatter [tilespmem:s22], [sflag:$0x3], $0xE000, $0x38;
	[tilespmem:$0x1C000] =	vst v63  }
0x151: {  	_ = 	snop  }
0x152: {  	[hbm4b:s16+s2] =	stream.linear.scatter [tilespmem:s22], [sflag:$0x3], $0xE000, $0x38;
	[tilespmem:$0x1C000] =	vst v63  }
0x153: {  	_ = 	snop  }
0x154: {  	[hbm4b:s17+s2] =	stream.linear.scatter [tilespmem:s22], [sflag:$0x3], $0xE000, $0x38;
	[tilespmem:$0x1C000] =	vst v63  }
0x155: {  	_ =	swait.ge [sflag:s5], $0xE000  }
0x156: {  	[sflag:s5] =	ssyncset.done $0x0  }
0x157: {  	[sflag:s5] =	ssyncadd.s32 $0xFFFF2000  }
0x158: {  	_ =	swait.ge [sflag:s5], $0xE000  }
0x159: {  	[sflag:s5] =	ssyncset.done $0x0  }
0x15a: {  	[sflag:s5] =	ssyncadd.s32 $0xFFFF2000  }
0x15b: {  	_ =	swait.ge [sflag:s5], $0xE000  }
0x15c: {  	[sflag:s5] =	ssyncset.done $0x0  }
0x15d: {  	[sflag:s5] =	ssyncadd.s32 $0xFFFF2000  }
0x15e: {  	_ =	swait.ge [sflag:s5], $0xE000  }
0x15f: {  	[sflag:s5] =	ssyncset.done $0x0  }
0x160: {  	[sflag:s5] =	ssyncadd.s32 $0xFFFF2000  }
0x161: {  	[tilespmem:s2], [sflag:$0x1] =	stream.linear.gather [hbm4b:s3+s2], $0x8000, $0x38;
	[tilespmem:$0x1C000] =	vst v63  }
0x162: {  	_ =	swait.ge [sflag:s14], $0x8000  }
0x163: {  	[sflag:s14] =	ssyncset.done $0x0  }
0x164: {  	[sflag:s14] =	ssyncadd.s32 $0xFFFF8000  }
0x165: {  	[hbm4b:s8+s2] =	stream.linear.scatter [tilespmem:s2], [sflag:$0x2], $0x8000, $0x38;
	[tilespmem:$0x1C000] =	vst v63  }
0x166: {  	_ = 	snop  }
0x167: {  	[hbm4b:s9+s2] =	stream.linear.scatter [tilespmem:s2], [sflag:$0x2], $0x8000, $0x38;
	[tilespmem:$0x1C000] =	vst v63  }
0x168: {  	_ = 	snop  }
0x169: {  	[hbm4b:s10+s2] =	stream.linear.scatter [tilespmem:s2], [sflag:$0x2], $0x8000, $0x38;
	[tilespmem:$0x1C000] =	vst v63  }
0x16a: {  	_ = 	snop  }
0x16b: {  	[hbm4b:s12+s2] =	stream.linear.scatter [tilespmem:s2], [sflag:$0x2], $0x8000, $0x38;
	[tilespmem:$0x1C000] =	vst v63  }
0x16c: {  	_ =	swait.ge [sflag:s7], $0xE000  }
0x16d: {  	[sflag:s7] =	ssyncset.done $0x0  }
0x16e: {  	[sflag:s7] =	ssyncadd.s32 $0xFFFF2000  }
0x16f: {  	_ =	swait.ge [sflag:s7], $0xE000  }
0x170: {  	[sflag:s7] =	ssyncset.done $0x0  }
0x171: {  	[sflag:s7] =	ssyncadd.s32 $0xFFFF2000  }
0x172: {  	_ =	swait.ge [sflag:s7], $0xE000  }
0x173: {  	[sflag:s7] =	ssyncset.done $0x0  }
0x174: {  	[sflag:s7] =	ssyncadd.s32 $0xFFFF2000  }
0x175: {  	_ =	swait.ge [sflag:s7], $0xE000  }
0x176: {  	[sflag:s7] =	ssyncset.done $0x0  }
0x177: {  	[sflag:s7] =	ssyncadd.s32 $0xFFFF2000  }
0x178: {  	_ =	swait.ge [sflag:s5], $0x8000  }
0x179: {  	[sflag:s5] =	ssyncset.done $0x0  }
0x17a: {  	[sflag:s5] =	ssyncadd.s32 $0xFFFF8000  }
0x17b: {  	_ =	swait.ge [sflag:s5], $0x8000  }
0x17c: {  	[sflag:s5] =	ssyncset.done $0x0  }
0x17d: {  	[sflag:s5] =	ssyncadd.s32 $0xFFFF8000  }
0x17e: {  	_ =	swait.ge [sflag:s5], $0x8000  }
0x17f: {  	[sflag:s5] =	ssyncset.done $0x0  }
0x180: {  	[sflag:s5] =	ssyncadd.s32 $0xFFFF8000  }
0x181: {  	_ =	swait.ge [sflag:s5], $0x8000  }
0x182: {  	[sflag:s5] =	ssyncset.done $0x0  }
0x183: {  	[sflag:s5] =	ssyncadd.s32 $0xFFFF8000  }
0x184: {  	_ =	sfence.sel $0x180000  }
0x185: {  	[bflag:$0x0] =	sbarrier.arrive $0xFFFF  }
0x186: {  	_ =	strace $0x90000047  }
0x187: {  	s0 =	stileid.u32;
	[bflag:$0x2] =	sbarrier.arrive $0xFFFF  }
0x188: {  	p0 =	sne.s32 s0, $0x0;
	s0 =	rddreg [dreg:$0x2]  }
0x189: {  	s0 =	sadd.s32 @!p0 $0x100000, s0  }
0x18a: {  	[sflag:s0] =	ssyncadd.tile.s32 @!p0 $0x1;
	_ =	shalt  }
.Lfunc_end2:
_tile_overlayer_lowered:
.L_overlay_start_2:
0x18b: {  	(tag) =	ssettag $0x2  }
0x18c: {  	s0 =	rddreg [dreg:$0x0];
	s2 =	stileid.u32  }
0x18d: {  	s1 =	rddreg [dreg:$0x1];
	p0 =	sne.s32 s2, $0x0  }
0x18e: {  	s3 =	rddreg [dreg:$0x2];
	[bflag:$0x3] =	sbarrier.arrive $0xFFFF;
	s2 =	simm.s32 @!p0 $0x1C04  }
0x18f: {  	[timem:s3], [sflag:s2] =	dma.local @!p0 [hbm:s0], s1  }
0x190: {  	s0 =	simm.s32 @!p0 $0x4  }
0x191: {  	_ =	swait.ge @!p0 [sflag:s0], s1  }
0x192: {  	s1 =	ssub.s32 @!p0 $0x0, s1;
	[sflag:s0] =	ssyncset.done @!p0 $0x0  }
0x193: {  	[sflag:s0] =	ssyncadd.s32 @!p0 s1  }
0x194: {  	[bflag:$0x3] =	sbarrier.arrive $0xFFFF  }
0x195: {  	_ =	shalt  }

</sc_bundles>
